<compile_context>
chip_gen: v7x
topology: tpu7x:2x2x1
jax: 0.10.2.dev20260603
libtpu: 0.0.44.dev20260713+nightly
codegen_flags: <defaults>
</compile_context>

<pallas_src>
import functools

import jax
import jax.numpy as jnp
import numpy as np
from jax import lax
from jax.experimental import pallas as pl
from jax.experimental.pallas import tpu as pltpu
from jax.experimental.pallas import tpu_sc as plsc

N = 10000
E = 160000
CI = 16
CO = 16
SI = 8
SO = 8
R = 8
A = 6
K = R * A
D_IN = CI * SI
D_OUT = CO * SO

_rng = np.random.default_rng(42)
_T_NP = _rng.standard_normal((A, SO, SI)).astype(np.float32) / np.sqrt(SI)
_MU = np.linspace(0.0, 2.0, R, dtype=np.float32)
_SIGMA = 0.5

_NC = 2
_NS = 16
_NW = _NC * _NS
_CHUNK = 128

_E1 = 81920
_E2 = E - _E1


def _mesh():
    return plsc.VectorSubcoreMesh(core_axis_name="c", subcore_axis_name="s",
                                  num_cores=_NC, num_subcores=_NS)


def _gather_body(per_w, nfull, tail,
                 x_hbm, src_hbm, out_hbm, idx_v, rows_v, rows_t, sem):
    wid = lax.axis_index("s") * _NC + lax.axis_index("c")
    base = wid * per_w
    pltpu.sync_copy(src_hbm.at[pl.ds(base, per_w)], idx_v)

    def body(i, _):
        off = i * _CHUNK
        idx = idx_v.at[pl.ds(off, _CHUNK)]
        pltpu.async_copy(x_hbm.at[idx], rows_v, sem).wait()
        pltpu.sync_copy(rows_v, out_hbm.at[pl.ds(base + off, _CHUNK)])
        return 0

    lax.fori_loop(0, nfull, body, 0)
    if tail:
        toff = nfull * _CHUNK
        tidx = idx_v.at[pl.ds(toff, tail)]
        pltpu.async_copy(x_hbm.at[tidx], rows_t, sem).wait()
        pltpu.sync_copy(rows_t, out_hbm.at[pl.ds(base + toff, tail)])


def _gather_call(x, src, e_sub):
    per_w = e_sub // _NW
    nfull, tail = divmod(per_w, _CHUNK)
    f = functools.partial(
        pl.kernel,
        out_type=jax.ShapeDtypeStruct((e_sub, D_IN), jnp.float32),
        mesh=_mesh(),
        scratch_types=[
            pltpu.VMEM((per_w,), jnp.int32),
            pltpu.VMEM((_CHUNK, D_IN), jnp.float32),
            pltpu.VMEM((max(tail, 8), D_IN), jnp.float32),
            pltpu.SemaphoreType.DMA,
        ],
    )(functools.partial(_gather_body, per_w, nfull, tail))
    return f(x, src)


_P = 1280


_EXP_G = np.zeros((R, R * D_OUT), np.float32)
for _r in range(R):
    _EXP_G[_r, _r * D_OUT:(_r + 1) * D_OUT] = 1.0
_EXP_M = np.zeros((A, A * D_IN), np.float32)
for _a in range(A):
    _EXP_M[_a, _a * D_IN:(_a + 1) * D_IN] = 1.0


def _compute_body(xj_ref, pts_ref, w_ref, eg_ref, em_ref, out_ref):
    xjb = xj_ref[...].astype(jnp.bfloat16)
    pt = pts_ref[...]
    px = pt[0:1, :]
    py = pt[1:2, :]
    pz = pt[2:3, :]
    r = jnp.sqrt(px * px + py * py + pz * pz)
    inv = 1.0 / (r + 1e-8)
    nx = px * inv
    ny = py * inv
    nz = pz * inv
    m_t = jnp.concatenate(
        [jnp.ones_like(nx), nx, ny, nz, nx * ny,
         nz * nz - jnp.float32(1.0 / 3.0)], axis=0)
    rb = jnp.broadcast_to(r, (R, r.shape[1]))
    mu = (lax.broadcasted_iota(jnp.int32, (R, 1), 0).astype(jnp.float32)
          * jnp.float32(2.0 / 7.0))
    g_t = jnp.exp(-((rb - mu) ** 2) * jnp.float32(1.0 / (2.0 * _SIGMA**2)))

    dn = (((0,), (0,)), ((), ()))
    g2 = lax.dot_general(g_t.astype(jnp.bfloat16), eg_ref[...], dn,
                         preferred_element_type=jnp.float32)
    m2 = lax.dot_general(m_t.astype(jnp.bfloat16), em_ref[...], dn,
                         preferred_element_type=jnp.float32
                         ).astype(jnp.bfloat16)

    t3 = jnp.concatenate(
        [xjb] + [xjb * m2[:, a * D_IN:(a + 1) * D_IN] for a in range(1, A)],
        axis=1)
    h = jnp.dot(t3, w_ref[...], preferred_element_type=jnp.float32)
    acc = g2[:, 0:D_OUT] * h[:, 0:D_OUT]
    for rr in range(1, R):
        acc = acc + g2[:, rr * D_OUT:(rr + 1) * D_OUT] * h[:, rr * D_OUT:(rr + 1) * D_OUT]
    out_ref[...] = acc


def _compute_msg(xj, points_t8, wbig):
    e_sub = xj.shape[0]
    eg = jnp.asarray(_EXP_G, jnp.bfloat16)
    em = jnp.asarray(_EXP_M, jnp.bfloat16)
    return pl.pallas_call(
        _compute_body,
        grid=(e_sub // _P,),
        in_specs=[
            pl.BlockSpec((_P, D_IN), lambda i: (i, 0)),
            pl.BlockSpec((8, _P), lambda i: (0, i)),
            pl.BlockSpec((A * D_IN, R * D_OUT), lambda i: (0, 0)),
            pl.BlockSpec((R, R * D_OUT), lambda i: (0, 0)),
            pl.BlockSpec((A, A * D_IN), lambda i: (0, 0)),
        ],
        out_specs=pl.BlockSpec((_P, D_OUT), lambda i: (i, 0)),
        out_shape=jax.ShapeDtypeStruct((e_sub, D_OUT), jnp.float32),
    )(xj, points_t8, wbig, eg, em)


_ROWS_PER_SUB = 624
_ROWS_TAIL_OFF = _ROWS_PER_SUB * _NS
_ROWS_TAIL = N - _ROWS_TAIL_OFF


def _scatter_body(per_w, nfull, tail,
                  msg_hbm, dst_hbm, zeros_hbm, out_hbm,
                  idx2_v, idxt_v, rows_v, rows_t, part_sh):
    cid = lax.axis_index("c")
    sid = lax.axis_index("s")
    wid = sid * _NC + cid
    pltpu.sync_copy(zeros_hbm.at[pl.ds(sid * _ROWS_PER_SUB, _ROWS_PER_SUB)],
                    part_sh.at[pl.ds(sid * _ROWS_PER_SUB, _ROWS_PER_SUB)])

    @pl.when(sid == _NS - 1)
    def _zero_tail():
        pltpu.sync_copy(zeros_hbm.at[pl.ds(_ROWS_TAIL_OFF, _ROWS_TAIL)],
                        part_sh.at[pl.ds(_ROWS_TAIL_OFF, _ROWS_TAIL)])

    plsc.subcore_barrier()

    base = wid * per_w

    def body(i, _):
        off = base + i * _CHUNK
        pltpu.sync_copy(dst_hbm.at[pl.ds(off, _CHUNK)], idx2_v.at[0])
        pltpu.sync_copy(msg_hbm.at[pl.ds(off, _CHUNK)], rows_v)
        pltpu.sync_copy(rows_v, part_sh.at[idx2_v.at[0]], add=True)
        return 0

    lax.fori_loop(0, nfull, body, 0)
    if tail:
        toff = base + nfull * _CHUNK
        pltpu.sync_copy(dst_hbm.at[pl.ds(toff, tail)], idxt_v)
        pltpu.sync_copy(msg_hbm.at[pl.ds(toff, tail)], rows_t)
        pltpu.sync_copy(rows_t, part_sh.at[idxt_v], add=True)

    plsc.subcore_barrier()
    row = sid * _ROWS_PER_SUB
    pltpu.sync_copy(part_sh.at[pl.ds(row, _ROWS_PER_SUB)],
                    out_hbm.at[pl.ds(cid * N + row, _ROWS_PER_SUB)])

    @pl.when(sid == _NS - 1)
    def _write_tail():
        pltpu.sync_copy(part_sh.at[pl.ds(_ROWS_TAIL_OFF, _ROWS_TAIL)],
                        out_hbm.at[pl.ds(cid * N + _ROWS_TAIL_OFF, _ROWS_TAIL)])


def _scatter_call(msg, dst, zeros):
    e_sub = dst.shape[0]
    per_w = e_sub // _NW
    nfull, tail = divmod(per_w, _CHUNK)
    f = functools.partial(
        pl.kernel,
        out_type=jax.ShapeDtypeStruct((2 * N, D_OUT), jnp.float32),
        mesh=_mesh(),
        scratch_types=[
            pltpu.VMEM((1, _CHUNK), jnp.int32),
            pltpu.VMEM((max(tail, 8),), jnp.int32),
            pltpu.VMEM((_CHUNK, D_OUT), jnp.float32),
            pltpu.VMEM((max(tail, 8), D_OUT), jnp.float32),
            pltpu.VMEM_SHARED((N, D_OUT), jnp.float32),
        ],
    )(functools.partial(_scatter_body, per_w, nfull, tail))
    return f(msg, dst, zeros)


_MB = 1000


def _merge_body(a0_ref, a1_ref, b0_ref, b1_ref, out_ref):
    out_ref[...] = (a0_ref[...] + a1_ref[...]) + (b0_ref[...] + b1_ref[...])


def _merge(pa, pb):
    nb = N // _MB
    return pl.pallas_call(
        _merge_body,
        grid=(nb,),
        in_specs=[
            pl.BlockSpec((_MB, D_OUT), lambda i: (i, 0)),
            pl.BlockSpec((_MB, D_OUT), lambda i: (i + nb, 0)),
            pl.BlockSpec((_MB, D_OUT), lambda i: (i, 0)),
            pl.BlockSpec((_MB, D_OUT), lambda i: (i + nb, 0)),
        ],
        out_specs=pl.BlockSpec((_MB, D_OUT), lambda i: (i, 0)),
        out_shape=jax.ShapeDtypeStruct((N, D_OUT), jnp.float32),
    )(pa, pa, pb, pb)


def _build_wbig(weights):
    c = weights.reshape(CO, CI, R, A)
    c_t = jnp.transpose(c, (3, 1, 2, 0))
    t_t = jnp.transpose(jnp.asarray(_T_NP), (0, 2, 1))
    w = (c_t[:, :, None, :, :, None] * t_t[:, None, :, None, None, :])
    return w.reshape(A * D_IN, R * D_OUT).astype(jnp.bfloat16)


def kernel(weights, x, points, edge_index):
    src = edge_index[0].astype(jnp.int32)
    dst = edge_index[1].astype(jnp.int32)
    wbig = _build_wbig(weights)
    zeros = jnp.zeros((N, D_OUT), dtype=jnp.float32)
    pts_t8 = jnp.concatenate(
        [points.T, jnp.zeros((5, E), points.dtype)], axis=0)

    xj1 = _gather_call(x, src[:_E1], _E1)
    xj2 = _gather_call(x, src[_E1:], _E2)
    msg1 = _compute_msg(xj1, pts_t8[:, :_E1], wbig)
    msg2 = _compute_msg(xj2, pts_t8[:, _E1:], wbig)
    pa = _scatter_call(msg1, dst[:_E1], zeros)
    pb = _scatter_call(msg2, dst[_E1:], zeros)
    return _merge(pa, pb)

# --- scband reference (transcript-rebuilt; emitter-appended) ---
"""Pipeline reference for scband-blocks-basis-sampler-52725018526307 (READ-ONLY COPY).

The authoritative reference and input builder live on the scoring server;
editing this copy changes nothing except your own understanding.
"""

import jax, jax.numpy as jnp
import numpy as np

N = 10000
E = 160000
CI = 16   # number of input fields (uniform repr)
CO = 16   # number of output fields (uniform repr)
SI = 8    # size of each input field
SO = 8    # size of each output field
R = 8     # radial basis profiles
A = 6     # angular basis functions
K = R * A # total basis dimension of the block sampler
D_IN = CI * SI
D_OUT = CO * SO

_rng = np.random.default_rng(42)
# fixed analytic angular tensor mapping angular monomials to (out_size, in_size) blocks
_T = jnp.asarray(_rng.standard_normal((A, SO, SI)).astype(np.float32)) / np.sqrt(SI)
_MU = jnp.linspace(0.0, 2.0, R, dtype=jnp.float32)
_SIGMA = 0.5


def _sample_basis(points):
    # analytic steerable-like basis sampled at arbitrary points: [P, SO, SI, K]
    r = jnp.sqrt(jnp.sum(points * points, axis=-1))
    g = jnp.exp(-((r[:, None] - _MU[None, :]) ** 2) / (2.0 * _SIGMA ** 2))  # [P, R]
    n = points / (r[:, None] + 1e-8)
    nx, ny, nz = n[:, 0], n[:, 1], n[:, 2]
    m = jnp.stack([jnp.ones_like(nx), nx, ny, nz, nx * ny, nz * nz - 1.0 / 3.0], axis=-1)  # [P, A]
    basis = jnp.einsum('pr,pa,aoi->poira', g, m, _T)  # [P, SO, SI, R, A]
    return basis.reshape(points.shape[0], SO, SI, K)


def setup_inputs(seed: int = 0) -> dict:
    key = jax.random.key(seed)
    k1, k2, k3, k4 = jax.random.split(key, 4)
    weights = jax.random.normal(k1, (CO * CI * K,), dtype=jnp.float32) * 0.05
    x = jax.random.normal(k2, (N, D_IN), dtype=jnp.float32)
    points = jax.random.normal(k3, (E, 3), dtype=jnp.float32)
    edge_index = jax.random.randint(k4, (2, E), 0, N, dtype=jnp.int64)
    return {"weights": weights, "x": x, "points": points, "edge_index": edge_index}


def reference(weights, x, points, edge_index):
    src = edge_index[0]
    dst = edge_index[1]
    # expand filter coefficients for the (uniform) io pair, as in _compute_out_block
    coefficients = weights.reshape(CO, CI, K)  # 'ujk'
    # gather input features at source nodes, split into fields
    x_j = jnp.take(x, src, axis=0).reshape(E, CI, SI)  # 'pji'
    # sample the analytical basis at the edge points
    _basis = _sample_basis(points)  # 'poik'
    # _out = torch.einsum('ujk,poik,pji->puo', coefficients, _basis, input)
    tmp = jnp.einsum('poik,pji->pojk', _basis, x_j)
    msg = jnp.einsum('ujk,pojk->puo', coefficients, tmp)  # [E, CO, SO]
    # scatter-add the per-point messages into the output node memory
    out = jnp.zeros((N, D_OUT), dtype=x.dtype).at[dst].add(msg.reshape(E, D_OUT))
    return out

if __name__ == "__main__":
    import jax
    _d = setup_inputs()
    print(jax.jit(kernel)(*tuple(_d.values())))

</pallas_src>

<mosaic_0001>
#map = affine_map<(d0, d1) -> (0, 0)>
#map1 = affine_map<(d0, d1) -> (0)>
module attributes {stable_mosaic.version = 14 : i64} {
  func.func @_scatter_body(%arg0: i32, %arg1: i32, %arg2: memref<81920x128xf32, #tpu.memory_space<hbm>>, %arg3: memref<81920xi32, #tpu.memory_space<hbm>>, %arg4: memref<10000x128xf32, #tpu.memory_space<hbm>>, %arg5: memref<20000x128xf32, #tpu.memory_space<hbm>>, %arg6: memref<1x128xi32, #tpu.memory_space<vmem>>, %arg7: memref<8xi32, #tpu.memory_space<vmem>>, %arg8: memref<128x128xf32, #tpu.memory_space<vmem>>, %arg9: memref<8x128xf32, #tpu.memory_space<vmem>>, %arg10: memref<10000x128xf32, #tpu.memory_space<vmem_shared>>) attributes {dimension_semantics = [#tpu.dimension_semantics<core_parallel>, #tpu.dimension_semantics<subcore_parallel>], iteration_bounds = array<i64: 2, 16>, scalar_prefetch = 0 : i64, scratch_operands = 5 : i64, tpu.core_type = #tpu.core_type<sc_vector_subcore>, window_params = [{transform_indices = #map}, {transform_indices = #map1}, {transform_indices = #map}, {transform_indices = #map}]} {
    %mul3A = arith.constant 2 : i32
    %mul3A_0 = arith.muli %arg1, %mul3A : i32
    %add3A = arith.addi %mul3A_0, %arg0 : i32
    %mul3A_1 = arith.constant 624 : i32
    %mul3A_2 = arith.muli %arg1, %mul3A_1 : i32
    %mul3A_3 = arith.constant 624 : i32
    %mul3A_4 = arith.muli %arg1, %mul3A_3 : i32
    "tpu.region"() ({
      %run_scoped3A = tpu.sem_alloc : memref<!tpu.dma_semaphore, #tpu.memory_space<semaphore_mem>>
      %dma_start3A = arith.constant 0 : i32
      %dma_start3A_26 = tpu.memref_slice %arg10[%mul3A_4, %dma_start3A] : memref<10000x128xf32, #tpu.memory_space<vmem_shared>> -> memref<624x128xf32, #tpu.memory_space<vmem_shared>>
      %dma_start3A_27 = arith.constant 0 : i32
      %dma_start3A_28 = tpu.memref_slice %arg4[%mul3A_2, %dma_start3A_27] : memref<10000x128xf32, #tpu.memory_space<hbm>> -> memref<624x128xf32, #tpu.memory_space<hbm>>
      tpu.enqueue_dma source(%dma_start3A_28 : memref<624x128xf32, #tpu.memory_space<hbm>>) target(%dma_start3A_26 : memref<624x128xf32, #tpu.memory_space<vmem_shared>>) target_semaphore(%run_scoped3A : memref<!tpu.dma_semaphore, #tpu.memory_space<semaphore_mem>>)
      %dma_wait3A = arith.constant 0 : i32
      %dma_wait3A_29 = tpu.memref_slice %arg10[%mul3A_4, %dma_wait3A] : memref<10000x128xf32, #tpu.memory_space<vmem_shared>> -> memref<624x128xf32, #tpu.memory_space<vmem_shared>>
      %dma_wait3A_30 = arith.constant 0 : i32
      %dma_wait3A_31 = tpu.memref_slice %arg4[%mul3A_2, %dma_wait3A_30] : memref<10000x128xf32, #tpu.memory_space<hbm>> -> memref<624x128xf32, #tpu.memory_space<hbm>>
      tpu.wait_dma2 semaphore(%run_scoped3A : memref<!tpu.dma_semaphore, #tpu.memory_space<semaphore_mem>>) src(%dma_wait3A_31 : memref<624x128xf32, #tpu.memory_space<hbm>>) dst(%dma_wait3A_29 : memref<624x128xf32, #tpu.memory_space<vmem_shared>>)
      tpu.yield
    }) : () -> ()
    %eq3A = arith.constant 15 : i32
    %eq3A_5 = arith.cmpi eq, %arg1, %eq3A : i32
    %convert_element_type3A = arith.extui %eq3A_5 : i1 to i32
    %cond3A = arith.constant 0 : i32
    %cond3A_6 = arith.cmpi ne, %convert_element_type3A, %cond3A : i32
    scf.if %cond3A_6 {
      "tpu.region"() ({
        %run_scoped3A = tpu.sem_alloc : memref<!tpu.dma_semaphore, #tpu.memory_space<semaphore_mem>>
        %dma_start3A = arith.constant 9984 : i32
        %dma_start3A_26 = arith.constant 0 : i32
        %dma_start3A_27 = tpu.memref_slice %arg10[%dma_start3A, %dma_start3A_26] : memref<10000x128xf32, #tpu.memory_space<vmem_shared>> -> memref<16x128xf32, #tpu.memory_space<vmem_shared>>
        %dma_start3A_28 = arith.constant 9984 : i32
        %dma_start3A_29 = arith.constant 0 : i32
        %dma_start3A_30 = tpu.memref_slice %arg4[%dma_start3A_28, %dma_start3A_29] : memref<10000x128xf32, #tpu.memory_space<hbm>> -> memref<16x128xf32, #tpu.memory_space<hbm>>
        tpu.enqueue_dma source(%dma_start3A_30 : memref<16x128xf32, #tpu.memory_space<hbm>>) target(%dma_start3A_27 : memref<16x128xf32, #tpu.memory_space<vmem_shared>>) target_semaphore(%run_scoped3A : memref<!tpu.dma_semaphore, #tpu.memory_space<semaphore_mem>>)
        %dma_wait3A = arith.constant 9984 : i32
        %dma_wait3A_31 = arith.constant 0 : i32
        %dma_wait3A_32 = tpu.memref_slice %arg10[%dma_wait3A, %dma_wait3A_31] : memref<10000x128xf32, #tpu.memory_space<vmem_shared>> -> memref<16x128xf32, #tpu.memory_space<vmem_shared>>
        %dma_wait3A_33 = arith.constant 9984 : i32
        %dma_wait3A_34 = arith.constant 0 : i32
        %dma_wait3A_35 = tpu.memref_slice %arg4[%dma_wait3A_33, %dma_wait3A_34] : memref<10000x128xf32, #tpu.memory_space<hbm>> -> memref<16x128xf32, #tpu.memory_space<hbm>>
        tpu.wait_dma2 semaphore(%run_scoped3A : memref<!tpu.dma_semaphore, #tpu.memory_space<semaphore_mem>>) src(%dma_wait3A_35 : memref<16x128xf32, #tpu.memory_space<hbm>>) dst(%dma_wait3A_32 : memref<16x128xf32, #tpu.memory_space<vmem_shared>>)
        tpu.yield
      }) : () -> ()
    } else {
    }
    %barrier3A = arith.constant 0 : index
    tpu.barrier barrier_id(%barrier3A)
    %mul3A_7 = arith.constant 2560 : i32
    %mul3A_8 = arith.muli %add3A, %mul3A_7 : i32
    %scan3A = arith.constant 0 : i32
    %scan3A_9 = arith.constant 0 : i32
    %scan3A_10 = arith.constant 20 : i32
    %scan3A_11 = arith.addi %scan3A_9, %scan3A_10 : i32
    %scan3A_12 = arith.constant 1 : i32
    %scan3A_13 = scf.for %scan3A_26 = %scan3A_9 to %scan3A_11 step %scan3A_12 iter_args(%scan3A_27 = %scan3A) -> (i32)  : i32 {
      %mul3A_28 = arith.constant 128 : i32
      %mul3A_29 = arith.muli %scan3A_26, %mul3A_28 : i32
      %add3A_30 = arith.addi %mul3A_8, %mul3A_29 : i32
      %run_scoped3A = arith.constant 0 : i32
      "tpu.region"() ({
        %run_scoped3A_33 = tpu.sem_alloc : memref<!tpu.dma_semaphore, #tpu.memory_space<semaphore_mem>>
        %dma_start3A = arith.constant 0 : i32
        %dma_start3A_34 = tpu.memref_slice %arg6[%run_scoped3A, %dma_start3A] : memref<1x128xi32, #tpu.memory_space<vmem>> -> memref<1x128xi32, #tpu.memory_space<vmem>>
        %dma_start3A_35 = tpu.memref_squeeze %dma_start3A_34 : memref<1x128xi32, #tpu.memory_space<vmem>> -> memref<128xi32, #tpu.memory_space<vmem>>
        %dma_start3A_36 = tpu.memref_slice %arg3[%add3A_30] : memref<81920xi32, #tpu.memory_space<hbm>> -> memref<128xi32, #tpu.memory_space<hbm>>
        %dma_start3A_37 = arith.constant 0 : i32
        %dma_start3A_38 = tpu.memref_slice %arg6[%run_scoped3A, %dma_start3A_37] : memref<1x128xi32, #tpu.memory_space<vmem>> -> memref<1x128xi32, #tpu.memory_space<vmem>>
        %dma_start3A_39 = tpu.memref_squeeze %dma_start3A_38 : memref<1x128xi32, #tpu.memory_space<vmem>> -> memref<128xi32, #tpu.memory_space<vmem>>
        %dma_start3A_40 = tpu.memref_slice %arg3[%add3A_30] : memref<81920xi32, #tpu.memory_space<hbm>> -> memref<128xi32, #tpu.memory_space<hbm>>
        tpu.enqueue_dma source(%dma_start3A_40 : memref<128xi32, #tpu.memory_space<hbm>>) target(%dma_start3A_39 : memref<128xi32, #tpu.memory_space<vmem>>) target_semaphore(%run_scoped3A_33 : memref<!tpu.dma_semaphore, #tpu.memory_space<semaphore_mem>>)
        %dma_wait3A = arith.constant 0 : i32
        %dma_wait3A_41 = tpu.memref_slice %arg6[%run_scoped3A, %dma_wait3A] : memref<1x128xi32, #tpu.memory_space<vmem>> -> memref<1x128xi32, #tpu.memory_space<vmem>>
        %dma_wait3A_42 = tpu.memref_squeeze %dma_wait3A_41 : memref<1x128xi32, #tpu.memory_space<vmem>> -> memref<128xi32, #tpu.memory_space<vmem>>
        %dma_wait3A_43 = tpu.memref_slice %arg3[%add3A_30] : memref<81920xi32, #tpu.memory_space<hbm>> -> memref<128xi32, #tpu.memory_space<hbm>>
        %dma_wait3A_44 = arith.constant 0 : i32
        %dma_wait3A_45 = tpu.memref_slice %arg6[%run_scoped3A, %dma_wait3A_44] : memref<1x128xi32, #tpu.memory_space<vmem>> -> memref<1x128xi32, #tpu.memory_space<vmem>>
        %dma_wait3A_46 = tpu.memref_squeeze %dma_wait3A_45 : memref<1x128xi32, #tpu.memory_space<vmem>> -> memref<128xi32, #tpu.memory_space<vmem>>
        %dma_wait3A_47 = tpu.memref_slice %arg3[%add3A_30] : memref<81920xi32, #tpu.memory_space<hbm>> -> memref<128xi32, #tpu.memory_space<hbm>>
        tpu.wait_dma2 semaphore(%run_scoped3A_33 : memref<!tpu.dma_semaphore, #tpu.memory_space<semaphore_mem>>) src(%dma_wait3A_47 : memref<128xi32, #tpu.memory_space<hbm>>) dst(%dma_wait3A_46 : memref<128xi32, #tpu.memory_space<vmem>>)
        tpu.yield
      }) : () -> ()
      "tpu.region"() ({
        %run_scoped3A_33 = tpu.sem_alloc : memref<!tpu.dma_semaphore, #tpu.memory_space<semaphore_mem>>
        %dma_start3A = arith.constant 0 : i32
        %dma_start3A_34 = tpu.memref_slice %arg2[%add3A_30, %dma_start3A] : memref<81920x128xf32, #tpu.memory_space<hbm>> -> memref<128x128xf32, #tpu.memory_space<hbm>>
        %dma_start3A_35 = arith.constant 0 : i32
        %dma_start3A_36 = tpu.memref_slice %arg2[%add3A_30, %dma_start3A_35] : memref<81920x128xf32, #tpu.memory_space<hbm>> -> memref<128x128xf32, #tpu.memory_space<hbm>>
        tpu.enqueue_dma source(%dma_start3A_36 : memref<128x128xf32, #tpu.memory_space<hbm>>) target(%arg8 : memref<128x128xf32, #tpu.memory_space<vmem>>) target_semaphore(%run_scoped3A_33 : memref<!tpu.dma_semaphore, #tpu.memory_space<semaphore_mem>>)
        %dma_wait3A = arith.constant 0 : i32
        %dma_wait3A_37 = tpu.memref_slice %arg2[%add3A_30, %dma_wait3A] : memref<81920x128xf32, #tpu.memory_space<hbm>> -> memref<128x128xf32, #tpu.memory_space<hbm>>
        %dma_wait3A_38 = arith.constant 0 : i32
        %dma_wait3A_39 = tpu.memref_slice %arg2[%add3A_30, %dma_wait3A_38] : memref<81920x128xf32, #tpu.memory_space<hbm>> -> memref<128x128xf32, #tpu.memory_space<hbm>>
        tpu.wait_dma2 semaphore(%run_scoped3A_33 : memref<!tpu.dma_semaphore, #tpu.memory_space<semaphore_mem>>) src(%dma_wait3A_39 : memref<128x128xf32, #tpu.memory_space<hbm>>) dst(%arg8 : memref<128x128xf32, #tpu.memory_space<vmem>>)
        tpu.yield
      }) : () -> ()
      %run_scoped3A_31 = arith.constant 0 : i32
      "tpu.region"() ({
        %run_scoped3A_33 = tpu.sem_alloc : memref<!tpu.dma_semaphore, #tpu.memory_space<semaphore_mem>>
        %dma_start3A = arith.constant 0 : i32
        %dma_start3A_34 = tpu.memref_slice %arg6[%run_scoped3A_31, %dma_start3A] : memref<1x128xi32, #tpu.memory_space<vmem>> -> memref<1x128xi32, #tpu.memory_space<vmem>>
        %dma_start3A_35 = tpu.memref_squeeze %dma_start3A_34 : memref<1x128xi32, #tpu.memory_space<vmem>> -> memref<128xi32, #tpu.memory_space<vmem>>
        %dma_start3A_36 = arith.constant 0 : i32
        %dma_start3A_37 = arith.constant 0 : i32
        %dma_start3A_38 = tpu.memref_slice %arg10[%dma_start3A_36, %dma_start3A_37] : memref<10000x128xf32, #tpu.memory_space<vmem_shared>> -> memref<10000x128xf32, #tpu.memory_space<vmem_shared>>
        tpu.enqueue_indirect_dma source(%arg8 : memref<128x128xf32, #tpu.memory_space<vmem>>) target(%dma_start3A_38 : memref<10000x128xf32, #tpu.memory_space<vmem_shared>>) offsets(%dma_start3A_35 : memref<128xi32, #tpu.memory_space<vmem>>) semaphore(%run_scoped3A_33 : memref<!tpu.dma_semaphore, #tpu.memory_space<semaphore_mem>>) {add = true}
        %dma_wait3A = arith.constant 0 : i32
        %dma_wait3A_39 = tpu.memref_slice %arg6[%run_scoped3A_31, %dma_wait3A] : memref<1x128xi32, #tpu.memory_space<vmem>> -> memref<1x128xi32, #tpu.memory_space<vmem>>
        %dma_wait3A_40 = tpu.memref_squeeze %dma_wait3A_39 : memref<1x128xi32, #tpu.memory_space<vmem>> -> memref<128xi32, #tpu.memory_space<vmem>>
        %dma_wait3A_41 = arith.constant 0 : i32
        %dma_wait3A_42 = arith.constant 0 : i32
        %dma_wait3A_43 = tpu.memref_slice %arg10[%dma_wait3A_41, %dma_wait3A_42] : memref<10000x128xf32, #tpu.memory_space<vmem_shared>> -> memref<10000x128xf32, #tpu.memory_space<vmem_shared>>
        tpu.wait_indirect_dma semaphore(%run_scoped3A_33 : memref<!tpu.dma_semaphore, #tpu.memory_space<semaphore_mem>>) src(%arg8 : memref<128x128xf32, #tpu.memory_space<vmem>>) dst(%dma_wait3A_43 : memref<10000x128xf32, #tpu.memory_space<vmem_shared>>)
        tpu.yield
      }) : () -> ()
      %scan3A_32 = arith.constant 0 : i32
      scf.yield %scan3A_32 : i32
    }
    %scan3A_14 = arith.constant 20 : i32
    %barrier3A_15 = arith.constant 0 : index
    tpu.barrier barrier_id(%barrier3A_15)
    %mul3A_16 = arith.constant 624 : i32
    %mul3A_17 = arith.muli %arg1, %mul3A_16 : i32
    %mul3A_18 = arith.constant 10000 : i32
    %mul3A_19 = arith.muli %arg0, %mul3A_18 : i32
    %add3A_20 = arith.addi %mul3A_19, %mul3A_17 : i32
    "tpu.region"() ({
      %run_scoped3A = tpu.sem_alloc : memref<!tpu.dma_semaphore, #tpu.memory_space<semaphore_mem>>
      %dma_start3A = arith.constant 0 : i32
      %dma_start3A_26 = tpu.memref_slice %arg5[%add3A_20, %dma_start3A] : memref<20000x128xf32, #tpu.memory_space<hbm>> -> memref<624x128xf32, #tpu.memory_space<hbm>>
      %dma_start3A_27 = arith.constant 0 : i32
      %dma_start3A_28 = tpu.memref_slice %arg10[%mul3A_17, %dma_start3A_27] : memref<10000x128xf32, #tpu.memory_space<vmem_shared>> -> memref<624x128xf32, #tpu.memory_space<vmem_shared>>
      tpu.enqueue_dma source(%dma_start3A_28 : memref<624x128xf32, #tpu.memory_space<vmem_shared>>) target(%dma_start3A_26 : memref<624x128xf32, #tpu.memory_space<hbm>>) target_semaphore(%run_scoped3A : memref<!tpu.dma_semaphore, #tpu.memory_space<semaphore_mem>>)
      %dma_wait3A = arith.constant 0 : i32
      %dma_wait3A_29 = tpu.memref_slice %arg5[%add3A_20, %dma_wait3A] : memref<20000x128xf32, #tpu.memory_space<hbm>> -> memref<624x128xf32, #tpu.memory_space<hbm>>
      %dma_wait3A_30 = arith.constant 0 : i32
      %dma_wait3A_31 = tpu.memref_slice %arg10[%mul3A_17, %dma_wait3A_30] : memref<10000x128xf32, #tpu.memory_space<vmem_shared>> -> memref<624x128xf32, #tpu.memory_space<vmem_shared>>
      tpu.wait_dma2 semaphore(%run_scoped3A : memref<!tpu.dma_semaphore, #tpu.memory_space<semaphore_mem>>) src(%dma_wait3A_31 : memref<624x128xf32, #tpu.memory_space<vmem_shared>>) dst(%dma_wait3A_29 : memref<624x128xf32, #tpu.memory_space<hbm>>)
      tpu.yield
    }) : () -> ()
    %eq3A_21 = arith.constant 15 : i32
    %eq3A_22 = arith.cmpi eq, %arg1, %eq3A_21 : i32
    %convert_element_type3A_23 = arith.extui %eq3A_22 : i1 to i32
    %cond3A_24 = arith.constant 0 : i32
    %cond3A_25 = arith.cmpi ne, %convert_element_type3A_23, %cond3A_24 : i32
    scf.if %cond3A_25 {
      %mul3A_26 = arith.constant 10000 : i32
      %mul3A_27 = arith.muli %arg0, %mul3A_26 : i32
      %add3A_28 = arith.constant 9984 : i32
      %add3A_29 = arith.addi %mul3A_27, %add3A_28 : i32
      "tpu.region"() ({
        %run_scoped3A = tpu.sem_alloc : memref<!tpu.dma_semaphore, #tpu.memory_space<semaphore_mem>>
        %dma_start3A = arith.constant 0 : i32
        %dma_start3A_30 = tpu.memref_slice %arg5[%add3A_29, %dma_start3A] : memref<20000x128xf32, #tpu.memory_space<hbm>> -> memref<16x128xf32, #tpu.memory_space<hbm>>
        %dma_start3A_31 = arith.constant 9984 : i32
        %dma_start3A_32 = arith.constant 0 : i32
        %dma_start3A_33 = tpu.memref_slice %arg10[%dma_start3A_31, %dma_start3A_32] : memref<10000x128xf32, #tpu.memory_space<vmem_shared>> -> memref<16x128xf32, #tpu.memory_space<vmem_shared>>
        tpu.enqueue_dma source(%dma_start3A_33 : memref<16x128xf32, #tpu.memory_space<vmem_shared>>) target(%dma_start3A_30 : memref<16x128xf32, #tpu.memory_space<hbm>>) target_semaphore(%run_scoped3A : memref<!tpu.dma_semaphore, #tpu.memory_space<semaphore_mem>>)
        %dma_wait3A = arith.constant 0 : i32
        %dma_wait3A_34 = tpu.memref_slice %arg5[%add3A_29, %dma_wait3A] : memref<20000x128xf32, #tpu.memory_space<hbm>> -> memref<16x128xf32, #tpu.memory_space<hbm>>
        %dma_wait3A_35 = arith.constant 9984 : i32
        %dma_wait3A_36 = arith.constant 0 : i32
        %dma_wait3A_37 = tpu.memref_slice %arg10[%dma_wait3A_35, %dma_wait3A_36] : memref<10000x128xf32, #tpu.memory_space<vmem_shared>> -> memref<16x128xf32, #tpu.memory_space<vmem_shared>>
        tpu.wait_dma2 semaphore(%run_scoped3A : memref<!tpu.dma_semaphore, #tpu.memory_space<semaphore_mem>>) src(%dma_wait3A_37 : memref<16x128xf32, #tpu.memory_space<vmem_shared>>) dst(%dma_wait3A_34 : memref<16x128xf32, #tpu.memory_space<hbm>>)
        tpu.yield
      }) : () -> ()
    } else {
    }
    return
  }
}

#map = affine_map<(d0, d1) -> (0, 0)>
#map1 = affine_map<(d0, d1) -> (0)>
module attributes {stable_mosaic.version = 14 : i64} {
  func.func @_gather_body(%arg0: i32, %arg1: i32, %arg2: memref<10000x128xf32, #tpu.memory_space<hbm>>, %arg3: memref<81920xi32, #tpu.memory_space<hbm>>, %arg4: memref<81920x128xf32, #tpu.memory_space<hbm>>, %arg5: memref<2560xi32, #tpu.memory_space<vmem>>, %arg6: memref<128x128xf32, #tpu.memory_space<vmem>>, %arg7: memref<8x128xf32, #tpu.memory_space<vmem>>, %arg8: memref<!tpu.dma_semaphore, #tpu.memory_space<semaphore_mem>>) attributes {dimension_semantics = [#tpu.dimension_semantics<core_parallel>, #tpu.dimension_semantics<subcore_parallel>], iteration_bounds = array<i64: 2, 16>, scalar_prefetch = 0 : i64, scratch_operands = 4 : i64, tpu.core_type = #tpu.core_type<sc_vector_subcore>, window_params = [{transform_indices = #map}, {transform_indices = #map1}, {transform_indices = #map}]} {
    %mul3A = arith.constant 2 : i32
    %mul3A_0 = arith.muli %arg1, %mul3A : i32
    %add3A = arith.addi %mul3A_0, %arg0 : i32
    %mul3A_1 = arith.constant 2560 : i32
    %mul3A_2 = arith.muli %add3A, %mul3A_1 : i32
    "tpu.region"() ({
      %run_scoped3A = tpu.sem_alloc : memref<!tpu.dma_semaphore, #tpu.memory_space<semaphore_mem>>
      %dma_start3A = tpu.memref_slice %arg3[%mul3A_2] : memref<81920xi32, #tpu.memory_space<hbm>> -> memref<2560xi32, #tpu.memory_space<hbm>>
      %dma_start3A_9 = tpu.memref_slice %arg3[%mul3A_2] : memref<81920xi32, #tpu.memory_space<hbm>> -> memref<2560xi32, #tpu.memory_space<hbm>>
      tpu.enqueue_dma source(%dma_start3A_9 : memref<2560xi32, #tpu.memory_space<hbm>>) target(%arg5 : memref<2560xi32, #tpu.memory_space<vmem>>) target_semaphore(%run_scoped3A : memref<!tpu.dma_semaphore, #tpu.memory_space<semaphore_mem>>)
      %dma_wait3A = tpu.memref_slice %arg3[%mul3A_2] : memref<81920xi32, #tpu.memory_space<hbm>> -> memref<2560xi32, #tpu.memory_space<hbm>>
      %dma_wait3A_10 = tpu.memref_slice %arg3[%mul3A_2] : memref<81920xi32, #tpu.memory_space<hbm>> -> memref<2560xi32, #tpu.memory_space<hbm>>
      tpu.wait_dma2 semaphore(%run_scoped3A : memref<!tpu.dma_semaphore, #tpu.memory_space<semaphore_mem>>) src(%dma_wait3A_10 : memref<2560xi32, #tpu.memory_space<hbm>>) dst(%arg5 : memref<2560xi32, #tpu.memory_space<vmem>>)
      tpu.yield
    }) : () -> ()
    %scan3A = arith.constant 0 : i32
    %scan3A_3 = arith.constant 0 : i32
    %scan3A_4 = arith.constant 20 : i32
    %scan3A_5 = arith.addi %scan3A_3, %scan3A_4 : i32
    %scan3A_6 = arith.constant 1 : i32
    %scan3A_7 = scf.for %scan3A_9 = %scan3A_3 to %scan3A_5 step %scan3A_6 iter_args(%scan3A_10 = %scan3A) -> (i32)  : i32 {
      %mul3A_11 = arith.constant 128 : i32
      %mul3A_12 = arith.muli %scan3A_9, %mul3A_11 : i32
      %dma_start3A = tpu.memref_slice %arg5[%mul3A_12] : memref<2560xi32, #tpu.memory_space<vmem>> -> memref<128xi32, #tpu.memory_space<vmem>>
      %dma_start3A_13 = arith.constant 0 : i32
      %dma_start3A_14 = arith.constant 0 : i32
      %dma_start3A_15 = tpu.memref_slice %arg2[%dma_start3A_13, %dma_start3A_14] : memref<10000x128xf32, #tpu.memory_space<hbm>> -> memref<10000x128xf32, #tpu.memory_space<hbm>>
      tpu.enqueue_indirect_dma source(%dma_start3A_15 : memref<10000x128xf32, #tpu.memory_space<hbm>>) target(%arg6 : memref<128x128xf32, #tpu.memory_space<vmem>>) offsets(%dma_start3A : memref<128xi32, #tpu.memory_space<vmem>>) semaphore(%arg8 : memref<!tpu.dma_semaphore, #tpu.memory_space<semaphore_mem>>)
      %dma_wait3A = tpu.memref_slice %arg5[%mul3A_12] : memref<2560xi32, #tpu.memory_space<vmem>> -> memref<128xi32, #tpu.memory_space<vmem>>
      %dma_wait3A_16 = arith.constant 0 : i32
      %dma_wait3A_17 = arith.constant 0 : i32
      %dma_wait3A_18 = tpu.memref_slice %arg2[%dma_wait3A_16, %dma_wait3A_17] : memref<10000x128xf32, #tpu.memory_space<hbm>> -> memref<10000x128xf32, #tpu.memory_space<hbm>>
      tpu.wait_indirect_dma semaphore(%arg8 : memref<!tpu.dma_semaphore, #tpu.memory_space<semaphore_mem>>) src(%dma_wait3A_18 : memref<10000x128xf32, #tpu.memory_space<hbm>>) dst(%arg6 : memref<128x128xf32, #tpu.memory_space<vmem>>)
      %add3A_19 = arith.addi %mul3A_2, %mul3A_12 : i32
      "tpu.region"() ({
        %run_scoped3A = tpu.sem_alloc : memref<!tpu.dma_semaphore, #tpu.memory_space<semaphore_mem>>
        %dma_start3A_21 = arith.constant 0 : i32
        %dma_start3A_22 = tpu.memref_slice %arg4[%add3A_19, %dma_start3A_21] : memref<81920x128xf32, #tpu.memory_space<hbm>> -> memref<128x128xf32, #tpu.memory_space<hbm>>
        %dma_start3A_23 = arith.constant 0 : i32
        %dma_start3A_24 = tpu.memref_slice %arg4[%add3A_19, %dma_start3A_23] : memref<81920x128xf32, #tpu.memory_space<hbm>> -> memref<128x128xf32, #tpu.memory_space<hbm>>
        tpu.enqueue_dma source(%arg6 : memref<128x128xf32, #tpu.memory_space<vmem>>) target(%dma_start3A_24 : memref<128x128xf32, #tpu.memory_space<hbm>>) target_semaphore(%run_scoped3A : memref<!tpu.dma_semaphore, #tpu.memory_space<semaphore_mem>>)
        %dma_wait3A_25 = arith.constant 0 : i32
        %dma_wait3A_26 = tpu.memref_slice %arg4[%add3A_19, %dma_wait3A_25] : memref<81920x128xf32, #tpu.memory_space<hbm>> -> memref<128x128xf32, #tpu.memory_space<hbm>>
        %dma_wait3A_27 = arith.constant 0 : i32
        %dma_wait3A_28 = tpu.memref_slice %arg4[%add3A_19, %dma_wait3A_27] : memref<81920x128xf32, #tpu.memory_space<hbm>> -> memref<128x128xf32, #tpu.memory_space<hbm>>
        tpu.wait_dma2 semaphore(%run_scoped3A : memref<!tpu.dma_semaphore, #tpu.memory_space<semaphore_mem>>) src(%arg6 : memref<128x128xf32, #tpu.memory_space<vmem>>) dst(%dma_wait3A_28 : memref<128x128xf32, #tpu.memory_space<hbm>>)
        tpu.yield
      }) : () -> ()
      %scan3A_20 = arith.constant 0 : i32
      scf.yield %scan3A_20 : i32
    }
    %scan3A_8 = arith.constant 20 : i32
    return
  }
}

#map = affine_map<(d0, d1) -> (0, 0)>
#map1 = affine_map<(d0, d1) -> (0)>
module attributes {stable_mosaic.version = 14 : i64} {
  func.func @_scatter_body(%arg0: i32, %arg1: i32, %arg2: memref<78080x128xf32, #tpu.memory_space<hbm>>, %arg3: memref<78080xi32, #tpu.memory_space<hbm>>, %arg4: memref<10000x128xf32, #tpu.memory_space<hbm>>, %arg5: memref<20000x128xf32, #tpu.memory_space<hbm>>, %arg6: memref<1x128xi32, #tpu.memory_space<vmem>>, %arg7: memref<8xi32, #tpu.memory_space<vmem>>, %arg8: memref<128x128xf32, #tpu.memory_space<vmem>>, %arg9: memref<8x128xf32, #tpu.memory_space<vmem>>, %arg10: memref<10000x128xf32, #tpu.memory_space<vmem_shared>>) attributes {dimension_semantics = [#tpu.dimension_semantics<core_parallel>, #tpu.dimension_semantics<subcore_parallel>], iteration_bounds = array<i64: 2, 16>, scalar_prefetch = 0 : i64, scratch_operands = 5 : i64, tpu.core_type = #tpu.core_type<sc_vector_subcore>, window_params = [{transform_indices = #map}, {transform_indices = #map1}, {transform_indices = #map}, {transform_indices = #map}]} {
    %mul3A = arith.constant 2 : i32
    %mul3A_0 = arith.muli %arg1, %mul3A : i32
    %add3A = arith.addi %mul3A_0, %arg0 : i32
    %mul3A_1 = arith.constant 624 : i32
    %mul3A_2 = arith.muli %arg1, %mul3A_1 : i32
    %mul3A_3 = arith.constant 624 : i32
    %mul3A_4 = arith.muli %arg1, %mul3A_3 : i32
    "tpu.region"() ({
      %run_scoped3A = tpu.sem_alloc : memref<!tpu.dma_semaphore, #tpu.memory_space<semaphore_mem>>
      %dma_start3A = arith.constant 0 : i32
      %dma_start3A_28 = tpu.memref_slice %arg10[%mul3A_4, %dma_start3A] : memref<10000x128xf32, #tpu.memory_space<vmem_shared>> -> memref<624x128xf32, #tpu.memory_space<vmem_shared>>
      %dma_start3A_29 = arith.constant 0 : i32
      %dma_start3A_30 = tpu.memref_slice %arg4[%mul3A_2, %dma_start3A_29] : memref<10000x128xf32, #tpu.memory_space<hbm>> -> memref<624x128xf32, #tpu.memory_space<hbm>>
      tpu.enqueue_dma source(%dma_start3A_30 : memref<624x128xf32, #tpu.memory_space<hbm>>) target(%dma_start3A_28 : memref<624x128xf32, #tpu.memory_space<vmem_shared>>) target_semaphore(%run_scoped3A : memref<!tpu.dma_semaphore, #tpu.memory_space<semaphore_mem>>)
      %dma_wait3A = arith.constant 0 : i32
      %dma_wait3A_31 = tpu.memref_slice %arg10[%mul3A_4, %dma_wait3A] : memref<10000x128xf32, #tpu.memory_space<vmem_shared>> -> memref<624x128xf32, #tpu.memory_space<vmem_shared>>
      %dma_wait3A_32 = arith.constant 0 : i32
      %dma_wait3A_33 = tpu.memref_slice %arg4[%mul3A_2, %dma_wait3A_32] : memref<10000x128xf32, #tpu.memory_space<hbm>> -> memref<624x128xf32, #tpu.memory_space<hbm>>
      tpu.wait_dma2 semaphore(%run_scoped3A : memref<!tpu.dma_semaphore, #tpu.memory_space<semaphore_mem>>) src(%dma_wait3A_33 : memref<624x128xf32, #tpu.memory_space<hbm>>) dst(%dma_wait3A_31 : memref<624x128xf32, #tpu.memory_space<vmem_shared>>)
      tpu.yield
    }) : () -> ()
    %eq3A = arith.constant 15 : i32
    %eq3A_5 = arith.cmpi eq, %arg1, %eq3A : i32
    %convert_element_type3A = arith.extui %eq3A_5 : i1 to i32
    %cond3A = arith.constant 0 : i32
    %cond3A_6 = arith.cmpi ne, %convert_element_type3A, %cond3A : i32
    scf.if %cond3A_6 {
      "tpu.region"() ({
        %run_scoped3A = tpu.sem_alloc : memref<!tpu.dma_semaphore, #tpu.memory_space<semaphore_mem>>
        %dma_start3A = arith.constant 9984 : i32
        %dma_start3A_28 = arith.constant 0 : i32
        %dma_start3A_29 = tpu.memref_slice %arg10[%dma_start3A, %dma_start3A_28] : memref<10000x128xf32, #tpu.memory_space<vmem_shared>> -> memref<16x128xf32, #tpu.memory_space<vmem_shared>>
        %dma_start3A_30 = arith.constant 9984 : i32
        %dma_start3A_31 = arith.constant 0 : i32
        %dma_start3A_32 = tpu.memref_slice %arg4[%dma_start3A_30, %dma_start3A_31] : memref<10000x128xf32, #tpu.memory_space<hbm>> -> memref<16x128xf32, #tpu.memory_space<hbm>>
        tpu.enqueue_dma source(%dma_start3A_32 : memref<16x128xf32, #tpu.memory_space<hbm>>) target(%dma_start3A_29 : memref<16x128xf32, #tpu.memory_space<vmem_shared>>) target_semaphore(%run_scoped3A : memref<!tpu.dma_semaphore, #tpu.memory_space<semaphore_mem>>)
        %dma_wait3A = arith.constant 9984 : i32
        %dma_wait3A_33 = arith.constant 0 : i32
        %dma_wait3A_34 = tpu.memref_slice %arg10[%dma_wait3A, %dma_wait3A_33] : memref<10000x128xf32, #tpu.memory_space<vmem_shared>> -> memref<16x128xf32, #tpu.memory_space<vmem_shared>>
        %dma_wait3A_35 = arith.constant 9984 : i32
        %dma_wait3A_36 = arith.constant 0 : i32
        %dma_wait3A_37 = tpu.memref_slice %arg4[%dma_wait3A_35, %dma_wait3A_36] : memref<10000x128xf32, #tpu.memory_space<hbm>> -> memref<16x128xf32, #tpu.memory_space<hbm>>
        tpu.wait_dma2 semaphore(%run_scoped3A : memref<!tpu.dma_semaphore, #tpu.memory_space<semaphore_mem>>) src(%dma_wait3A_37 : memref<16x128xf32, #tpu.memory_space<hbm>>) dst(%dma_wait3A_34 : memref<16x128xf32, #tpu.memory_space<vmem_shared>>)
        tpu.yield
      }) : () -> ()
    } else {
    }
    %barrier3A = arith.constant 0 : index
    tpu.barrier barrier_id(%barrier3A)
    %mul3A_7 = arith.constant 2440 : i32
    %mul3A_8 = arith.muli %add3A, %mul3A_7 : i32
    %scan3A = arith.constant 0 : i32
    %scan3A_9 = arith.constant 0 : i32
    %scan3A_10 = arith.constant 19 : i32
    %scan3A_11 = arith.addi %scan3A_9, %scan3A_10 : i32
    %scan3A_12 = arith.constant 1 : i32
    %scan3A_13 = scf.for %scan3A_28 = %scan3A_9 to %scan3A_11 step %scan3A_12 iter_args(%scan3A_29 = %scan3A) -> (i32)  : i32 {
      %mul3A_30 = arith.constant 128 : i32
      %mul3A_31 = arith.muli %scan3A_28, %mul3A_30 : i32
      %add3A_32 = arith.addi %mul3A_8, %mul3A_31 : i32
      %run_scoped3A = arith.constant 0 : i32
      "tpu.region"() ({
        %run_scoped3A_35 = tpu.sem_alloc : memref<!tpu.dma_semaphore, #tpu.memory_space<semaphore_mem>>
        %dma_start3A = arith.constant 0 : i32
        %dma_start3A_36 = tpu.memref_slice %arg6[%run_scoped3A, %dma_start3A] : memref<1x128xi32, #tpu.memory_space<vmem>> -> memref<1x128xi32, #tpu.memory_space<vmem>>
        %dma_start3A_37 = tpu.memref_squeeze %dma_start3A_36 : memref<1x128xi32, #tpu.memory_space<vmem>> -> memref<128xi32, #tpu.memory_space<vmem>>
        %dma_start3A_38 = tpu.memref_slice %arg3[%add3A_32] : memref<78080xi32, #tpu.memory_space<hbm>> -> memref<128xi32, #tpu.memory_space<hbm>>
        %dma_start3A_39 = arith.constant 0 : i32
        %dma_start3A_40 = tpu.memref_slice %arg6[%run_scoped3A, %dma_start3A_39] : memref<1x128xi32, #tpu.memory_space<vmem>> -> memref<1x128xi32, #tpu.memory_space<vmem>>
        %dma_start3A_41 = tpu.memref_squeeze %dma_start3A_40 : memref<1x128xi32, #tpu.memory_space<vmem>> -> memref<128xi32, #tpu.memory_space<vmem>>
        %dma_start3A_42 = tpu.memref_slice %arg3[%add3A_32] : memref<78080xi32, #tpu.memory_space<hbm>> -> memref<128xi32, #tpu.memory_space<hbm>>
        tpu.enqueue_dma source(%dma_start3A_42 : memref<128xi32, #tpu.memory_space<hbm>>) target(%dma_start3A_41 : memref<128xi32, #tpu.memory_space<vmem>>) target_semaphore(%run_scoped3A_35 : memref<!tpu.dma_semaphore, #tpu.memory_space<semaphore_mem>>)
        %dma_wait3A = arith.constant 0 : i32
        %dma_wait3A_43 = tpu.memref_slice %arg6[%run_scoped3A, %dma_wait3A] : memref<1x128xi32, #tpu.memory_space<vmem>> -> memref<1x128xi32, #tpu.memory_space<vmem>>
        %dma_wait3A_44 = tpu.memref_squeeze %dma_wait3A_43 : memref<1x128xi32, #tpu.memory_space<vmem>> -> memref<128xi32, #tpu.memory_space<vmem>>
        %dma_wait3A_45 = tpu.memref_slice %arg3[%add3A_32] : memref<78080xi32, #tpu.memory_space<hbm>> -> memref<128xi32, #tpu.memory_space<hbm>>
        %dma_wait3A_46 = arith.constant 0 : i32
        %dma_wait3A_47 = tpu.memref_slice %arg6[%run_scoped3A, %dma_wait3A_46] : memref<1x128xi32, #tpu.memory_space<vmem>> -> memref<1x128xi32, #tpu.memory_space<vmem>>
        %dma_wait3A_48 = tpu.memref_squeeze %dma_wait3A_47 : memref<1x128xi32, #tpu.memory_space<vmem>> -> memref<128xi32, #tpu.memory_space<vmem>>
        %dma_wait3A_49 = tpu.memref_slice %arg3[%add3A_32] : memref<78080xi32, #tpu.memory_space<hbm>> -> memref<128xi32, #tpu.memory_space<hbm>>
        tpu.wait_dma2 semaphore(%run_scoped3A_35 : memref<!tpu.dma_semaphore, #tpu.memory_space<semaphore_mem>>) src(%dma_wait3A_49 : memref<128xi32, #tpu.memory_space<hbm>>) dst(%dma_wait3A_48 : memref<128xi32, #tpu.memory_space<vmem>>)
        tpu.yield
      }) : () -> ()
      "tpu.region"() ({
        %run_scoped3A_35 = tpu.sem_alloc : memref<!tpu.dma_semaphore, #tpu.memory_space<semaphore_mem>>
        %dma_start3A = arith.constant 0 : i32
        %dma_start3A_36 = tpu.memref_slice %arg2[%add3A_32, %dma_start3A] : memref<78080x128xf32, #tpu.memory_space<hbm>> -> memref<128x128xf32, #tpu.memory_space<hbm>>
        %dma_start3A_37 = arith.constant 0 : i32
        %dma_start3A_38 = tpu.memref_slice %arg2[%add3A_32, %dma_start3A_37] : memref<78080x128xf32, #tpu.memory_space<hbm>> -> memref<128x128xf32, #tpu.memory_space<hbm>>
        tpu.enqueue_dma source(%dma_start3A_38 : memref<128x128xf32, #tpu.memory_space<hbm>>) target(%arg8 : memref<128x128xf32, #tpu.memory_space<vmem>>) target_semaphore(%run_scoped3A_35 : memref<!tpu.dma_semaphore, #tpu.memory_space<semaphore_mem>>)
        %dma_wait3A = arith.constant 0 : i32
        %dma_wait3A_39 = tpu.memref_slice %arg2[%add3A_32, %dma_wait3A] : memref<78080x128xf32, #tpu.memory_space<hbm>> -> memref<128x128xf32, #tpu.memory_space<hbm>>
        %dma_wait3A_40 = arith.constant 0 : i32
        %dma_wait3A_41 = tpu.memref_slice %arg2[%add3A_32, %dma_wait3A_40] : memref<78080x128xf32, #tpu.memory_space<hbm>> -> memref<128x128xf32, #tpu.memory_space<hbm>>
        tpu.wait_dma2 semaphore(%run_scoped3A_35 : memref<!tpu.dma_semaphore, #tpu.memory_space<semaphore_mem>>) src(%dma_wait3A_41 : memref<128x128xf32, #tpu.memory_space<hbm>>) dst(%arg8 : memref<128x128xf32, #tpu.memory_space<vmem>>)
        tpu.yield
      }) : () -> ()
      %run_scoped3A_33 = arith.constant 0 : i32
      "tpu.region"() ({
        %run_scoped3A_35 = tpu.sem_alloc : memref<!tpu.dma_semaphore, #tpu.memory_space<semaphore_mem>>
        %dma_start3A = arith.constant 0 : i32
        %dma_start3A_36 = tpu.memref_slice %arg6[%run_scoped3A_33, %dma_start3A] : memref<1x128xi32, #tpu.memory_space<vmem>> -> memref<1x128xi32, #tpu.memory_space<vmem>>
        %dma_start3A_37 = tpu.memref_squeeze %dma_start3A_36 : memref<1x128xi32, #tpu.memory_space<vmem>> -> memref<128xi32, #tpu.memory_space<vmem>>
        %dma_start3A_38 = arith.constant 0 : i32
        %dma_start3A_39 = arith.constant 0 : i32
        %dma_start3A_40 = tpu.memref_slice %arg10[%dma_start3A_38, %dma_start3A_39] : memref<10000x128xf32, #tpu.memory_space<vmem_shared>> -> memref<10000x128xf32, #tpu.memory_space<vmem_shared>>
        tpu.enqueue_indirect_dma source(%arg8 : memref<128x128xf32, #tpu.memory_space<vmem>>) target(%dma_start3A_40 : memref<10000x128xf32, #tpu.memory_space<vmem_shared>>) offsets(%dma_start3A_37 : memref<128xi32, #tpu.memory_space<vmem>>) semaphore(%run_scoped3A_35 : memref<!tpu.dma_semaphore, #tpu.memory_space<semaphore_mem>>) {add = true}
        %dma_wait3A = arith.constant 0 : i32
        %dma_wait3A_41 = tpu.memref_slice %arg6[%run_scoped3A_33, %dma_wait3A] : memref<1x128xi32, #tpu.memory_space<vmem>> -> memref<1x128xi32, #tpu.memory_space<vmem>>
        %dma_wait3A_42 = tpu.memref_squeeze %dma_wait3A_41 : memref<1x128xi32, #tpu.memory_space<vmem>> -> memref<128xi32, #tpu.memory_space<vmem>>
        %dma_wait3A_43 = arith.constant 0 : i32
        %dma_wait3A_44 = arith.constant 0 : i32
        %dma_wait3A_45 = tpu.memref_slice %arg10[%dma_wait3A_43, %dma_wait3A_44] : memref<10000x128xf32, #tpu.memory_space<vmem_shared>> -> memref<10000x128xf32, #tpu.memory_space<vmem_shared>>
        tpu.wait_indirect_dma semaphore(%run_scoped3A_35 : memref<!tpu.dma_semaphore, #tpu.memory_space<semaphore_mem>>) src(%arg8 : memref<128x128xf32, #tpu.memory_space<vmem>>) dst(%dma_wait3A_45 : memref<10000x128xf32, #tpu.memory_space<vmem_shared>>)
        tpu.yield
      }) : () -> ()
      %scan3A_34 = arith.constant 0 : i32
      scf.yield %scan3A_34 : i32
    }
    %scan3A_14 = arith.constant 19 : i32
    %add3A_15 = arith.constant 2432 : i32
    %add3A_16 = arith.addi %mul3A_8, %add3A_15 : i32
    "tpu.region"() ({
      %run_scoped3A = tpu.sem_alloc : memref<!tpu.dma_semaphore, #tpu.memory_space<semaphore_mem>>
      %dma_start3A = tpu.memref_slice %arg3[%add3A_16] : memref<78080xi32, #tpu.memory_space<hbm>> -> memref<8xi32, #tpu.memory_space<hbm>>
      %dma_start3A_28 = tpu.memref_slice %arg3[%add3A_16] : memref<78080xi32, #tpu.memory_space<hbm>> -> memref<8xi32, #tpu.memory_space<hbm>>
      tpu.enqueue_dma source(%dma_start3A_28 : memref<8xi32, #tpu.memory_space<hbm>>) target(%arg7 : memref<8xi32, #tpu.memory_space<vmem>>) target_semaphore(%run_scoped3A : memref<!tpu.dma_semaphore, #tpu.memory_space<semaphore_mem>>)
      %dma_wait3A = tpu.memref_slice %arg3[%add3A_16] : memref<78080xi32, #tpu.memory_space<hbm>> -> memref<8xi32, #tpu.memory_space<hbm>>
      %dma_wait3A_29 = tpu.memref_slice %arg3[%add3A_16] : memref<78080xi32, #tpu.memory_space<hbm>> -> memref<8xi32, #tpu.memory_space<hbm>>
      tpu.wait_dma2 semaphore(%run_scoped3A : memref<!tpu.dma_semaphore, #tpu.memory_space<semaphore_mem>>) src(%dma_wait3A_29 : memref<8xi32, #tpu.memory_space<hbm>>) dst(%arg7 : memref<8xi32, #tpu.memory_space<vmem>>)
      tpu.yield
    }) : () -> ()
    "tpu.region"() ({
      %run_scoped3A = tpu.sem_alloc : memref<!tpu.dma_semaphore, #tpu.memory_space<semaphore_mem>>
      %dma_start3A = arith.constant 0 : i32
      %dma_start3A_28 = tpu.memref_slice %arg2[%add3A_16, %dma_start3A] : memref<78080x128xf32, #tpu.memory_space<hbm>> -> memref<8x128xf32, #tpu.memory_space<hbm>>
      %dma_start3A_29 = arith.constant 0 : i32
      %dma_start3A_30 = tpu.memref_slice %arg2[%add3A_16, %dma_start3A_29] : memref<78080x128xf32, #tpu.memory_space<hbm>> -> memref<8x128xf32, #tpu.memory_space<hbm>>
      tpu.enqueue_dma source(%dma_start3A_30 : memref<8x128xf32, #tpu.memory_space<hbm>>) target(%arg9 : memref<8x128xf32, #tpu.memory_space<vmem>>) target_semaphore(%run_scoped3A : memref<!tpu.dma_semaphore, #tpu.memory_space<semaphore_mem>>)
      %dma_wait3A = arith.constant 0 : i32
      %dma_wait3A_31 = tpu.memref_slice %arg2[%add3A_16, %dma_wait3A] : memref<78080x128xf32, #tpu.memory_space<hbm>> -> memref<8x128xf32, #tpu.memory_space<hbm>>
      %dma_wait3A_32 = arith.constant 0 : i32
      %dma_wait3A_33 = tpu.memref_slice %arg2[%add3A_16, %dma_wait3A_32] : memref<78080x128xf32, #tpu.memory_space<hbm>> -> memref<8x128xf32, #tpu.memory_space<hbm>>
      tpu.wait_dma2 semaphore(%run_scoped3A : memref<!tpu.dma_semaphore, #tpu.memory_space<semaphore_mem>>) src(%dma_wait3A_33 : memref<8x128xf32, #tpu.memory_space<hbm>>) dst(%arg9 : memref<8x128xf32, #tpu.memory_space<vmem>>)
      tpu.yield
    }) : () -> ()
    "tpu.region"() ({
      %run_scoped3A = tpu.sem_alloc : memref<!tpu.dma_semaphore, #tpu.memory_space<semaphore_mem>>
      %dma_start3A = arith.constant 0 : i32
      %dma_start3A_28 = arith.constant 0 : i32
      %dma_start3A_29 = tpu.memref_slice %arg10[%dma_start3A, %dma_start3A_28] : memref<10000x128xf32, #tpu.memory_space<vmem_shared>> -> memref<10000x128xf32, #tpu.memory_space<vmem_shared>>
      tpu.enqueue_indirect_dma source(%arg9 : memref<8x128xf32, #tpu.memory_space<vmem>>) target(%dma_start3A_29 : memref<10000x128xf32, #tpu.memory_space<vmem_shared>>) offsets(%arg7 : memref<8xi32, #tpu.memory_space<vmem>>) semaphore(%run_scoped3A : memref<!tpu.dma_semaphore, #tpu.memory_space<semaphore_mem>>) {add = true}
      %dma_wait3A = arith.constant 0 : i32
      %dma_wait3A_30 = arith.constant 0 : i32
      %dma_wait3A_31 = tpu.memref_slice %arg10[%dma_wait3A, %dma_wait3A_30] : memref<10000x128xf32, #tpu.memory_space<vmem_shared>> -> memref<10000x128xf32, #tpu.memory_space<vmem_shared>>
      tpu.wait_indirect_dma semaphore(%run_scoped3A : memref<!tpu.dma_semaphore, #tpu.memory_space<semaphore_mem>>) src(%arg9 : memref<8x128xf32, #tpu.memory_space<vmem>>) dst(%dma_wait3A_31 : memref<10000x128xf32, #tpu.memory_space<vmem_shared>>)
      tpu.yield
    }) : () -> ()
    %barrier3A_17 = arith.constant 0 : index
    tpu.barrier barrier_id(%barrier3A_17)
    %mul3A_18 = arith.constant 624 : i32
    %mul3A_19 = arith.muli %arg1, %mul3A_18 : i32
    %mul3A_20 = arith.constant 10000 : i32
    %mul3A_21 = arith.muli %arg0, %mul3A_20 : i32
    %add3A_22 = arith.addi %mul3A_21, %mul3A_19 : i32
    "tpu.region"() ({
      %run_scoped3A = tpu.sem_alloc : memref<!tpu.dma_semaphore, #tpu.memory_space<semaphore_mem>>
      %dma_start3A = arith.constant 0 : i32
      %dma_start3A_28 = tpu.memref_slice %arg5[%add3A_22, %dma_start3A] : memref<20000x128xf32, #tpu.memory_space<hbm>> -> memref<624x128xf32, #tpu.memory_space<hbm>>
      %dma_start3A_29 = arith.constant 0 : i32
      %dma_start3A_30 = tpu.memref_slice %arg10[%mul3A_19, %dma_start3A_29] : memref<10000x128xf32, #tpu.memory_space<vmem_shared>> -> memref<624x128xf32, #tpu.memory_space<vmem_shared>>
      tpu.enqueue_dma source(%dma_start3A_30 : memref<624x128xf32, #tpu.memory_space<vmem_shared>>) target(%dma_start3A_28 : memref<624x128xf32, #tpu.memory_space<hbm>>) target_semaphore(%run_scoped3A : memref<!tpu.dma_semaphore, #tpu.memory_space<semaphore_mem>>)
      %dma_wait3A = arith.constant 0 : i32
      %dma_wait3A_31 = tpu.memref_slice %arg5[%add3A_22, %dma_wait3A] : memref<20000x128xf32, #tpu.memory_space<hbm>> -> memref<624x128xf32, #tpu.memory_space<hbm>>
      %dma_wait3A_32 = arith.constant 0 : i32
      %dma_wait3A_33 = tpu.memref_slice %arg10[%mul3A_19, %dma_wait3A_32] : memref<10000x128xf32, #tpu.memory_space<vmem_shared>> -> memref<624x128xf32, #tpu.memory_space<vmem_shared>>
      tpu.wait_dma2 semaphore(%run_scoped3A : memref<!tpu.dma_semaphore, #tpu.memory_space<semaphore_mem>>) src(%dma_wait3A_33 : memref<624x128xf32, #tpu.memory_space<vmem_shared>>) dst(%dma_wait3A_31 : memref<624x128xf32, #tpu.memory_space<hbm>>)
      tpu.yield
    }) : () -> ()
    %eq3A_23 = arith.constant 15 : i32
    %eq3A_24 = arith.cmpi eq, %arg1, %eq3A_23 : i32
    %convert_element_type3A_25 = arith.extui %eq3A_24 : i1 to i32
    %cond3A_26 = arith.constant 0 : i32
    %cond3A_27 = arith.cmpi ne, %convert_element_type3A_25, %cond3A_26 : i32
    scf.if %cond3A_27 {
      %mul3A_28 = arith.constant 10000 : i32
      %mul3A_29 = arith.muli %arg0, %mul3A_28 : i32
      %add3A_30 = arith.constant 9984 : i32
      %add3A_31 = arith.addi %mul3A_29, %add3A_30 : i32
      "tpu.region"() ({
        %run_scoped3A = tpu.sem_alloc : memref<!tpu.dma_semaphore, #tpu.memory_space<semaphore_mem>>
        %dma_start3A = arith.constant 0 : i32
        %dma_start3A_32 = tpu.memref_slice %arg5[%add3A_31, %dma_start3A] : memref<20000x128xf32, #tpu.memory_space<hbm>> -> memref<16x128xf32, #tpu.memory_space<hbm>>
        %dma_start3A_33 = arith.constant 9984 : i32
        %dma_start3A_34 = arith.constant 0 : i32
        %dma_start3A_35 = tpu.memref_slice %arg10[%dma_start3A_33, %dma_start3A_34] : memref<10000x128xf32, #tpu.memory_space<vmem_shared>> -> memref<16x128xf32, #tpu.memory_space<vmem_shared>>
        tpu.enqueue_dma source(%dma_start3A_35 : memref<16x128xf32, #tpu.memory_space<vmem_shared>>) target(%dma_start3A_32 : memref<16x128xf32, #tpu.memory_space<hbm>>) target_semaphore(%run_scoped3A : memref<!tpu.dma_semaphore, #tpu.memory_space<semaphore_mem>>)
        %dma_wait3A = arith.constant 0 : i32
        %dma_wait3A_36 = tpu.memref_slice %arg5[%add3A_31, %dma_wait3A] : memref<20000x128xf32, #tpu.memory_space<hbm>> -> memref<16x128xf32, #tpu.memory_space<hbm>>
        %dma_wait3A_37 = arith.constant 9984 : i32
        %dma_wait3A_38 = arith.constant 0 : i32
        %dma_wait3A_39 = tpu.memref_slice %arg10[%dma_wait3A_37, %dma_wait3A_38] : memref<10000x128xf32, #tpu.memory_space<vmem_shared>> -> memref<16x128xf32, #tpu.memory_space<vmem_shared>>
        tpu.wait_dma2 semaphore(%run_scoped3A : memref<!tpu.dma_semaphore, #tpu.memory_space<semaphore_mem>>) src(%dma_wait3A_39 : memref<16x128xf32, #tpu.memory_space<vmem_shared>>) dst(%dma_wait3A_36 : memref<16x128xf32, #tpu.memory_space<hbm>>)
        tpu.yield
      }) : () -> ()
    } else {
    }
    return
  }
}

#map = affine_map<(d0, d1) -> (0, 0)>
#map1 = affine_map<(d0, d1) -> (0)>
module attributes {stable_mosaic.version = 14 : i64} {
  func.func @_gather_body(%arg0: i32, %arg1: i32, %arg2: memref<10000x128xf32, #tpu.memory_space<hbm>>, %arg3: memref<78080xi32, #tpu.memory_space<hbm>>, %arg4: memref<78080x128xf32, #tpu.memory_space<hbm>>, %arg5: memref<2440xi32, #tpu.memory_space<vmem>>, %arg6: memref<128x128xf32, #tpu.memory_space<vmem>>, %arg7: memref<8x128xf32, #tpu.memory_space<vmem>>, %arg8: memref<!tpu.dma_semaphore, #tpu.memory_space<semaphore_mem>>) attributes {dimension_semantics = [#tpu.dimension_semantics<core_parallel>, #tpu.dimension_semantics<subcore_parallel>], iteration_bounds = array<i64: 2, 16>, scalar_prefetch = 0 : i64, scratch_operands = 4 : i64, tpu.core_type = #tpu.core_type<sc_vector_subcore>, window_params = [{transform_indices = #map}, {transform_indices = #map1}, {transform_indices = #map}]} {
    %mul3A = arith.constant 2 : i32
    %mul3A_0 = arith.muli %arg1, %mul3A : i32
    %add3A = arith.addi %mul3A_0, %arg0 : i32
    %mul3A_1 = arith.constant 2440 : i32
    %mul3A_2 = arith.muli %add3A, %mul3A_1 : i32
    "tpu.region"() ({
      %run_scoped3A = tpu.sem_alloc : memref<!tpu.dma_semaphore, #tpu.memory_space<semaphore_mem>>
      %dma_start3A_19 = tpu.memref_slice %arg3[%mul3A_2] : memref<78080xi32, #tpu.memory_space<hbm>> -> memref<2440xi32, #tpu.memory_space<hbm>>
      %dma_start3A_20 = tpu.memref_slice %arg3[%mul3A_2] : memref<78080xi32, #tpu.memory_space<hbm>> -> memref<2440xi32, #tpu.memory_space<hbm>>
      tpu.enqueue_dma source(%dma_start3A_20 : memref<2440xi32, #tpu.memory_space<hbm>>) target(%arg5 : memref<2440xi32, #tpu.memory_space<vmem>>) target_semaphore(%run_scoped3A : memref<!tpu.dma_semaphore, #tpu.memory_space<semaphore_mem>>)
      %dma_wait3A_21 = tpu.memref_slice %arg3[%mul3A_2] : memref<78080xi32, #tpu.memory_space<hbm>> -> memref<2440xi32, #tpu.memory_space<hbm>>
      %dma_wait3A_22 = tpu.memref_slice %arg3[%mul3A_2] : memref<78080xi32, #tpu.memory_space<hbm>> -> memref<2440xi32, #tpu.memory_space<hbm>>
      tpu.wait_dma2 semaphore(%run_scoped3A : memref<!tpu.dma_semaphore, #tpu.memory_space<semaphore_mem>>) src(%dma_wait3A_22 : memref<2440xi32, #tpu.memory_space<hbm>>) dst(%arg5 : memref<2440xi32, #tpu.memory_space<vmem>>)
      tpu.yield
    }) : () -> ()
    %scan3A = arith.constant 0 : i32
    %scan3A_3 = arith.constant 0 : i32
    %scan3A_4 = arith.constant 19 : i32
    %scan3A_5 = arith.addi %scan3A_3, %scan3A_4 : i32
    %scan3A_6 = arith.constant 1 : i32
    %scan3A_7 = scf.for %scan3A_19 = %scan3A_3 to %scan3A_5 step %scan3A_6 iter_args(%scan3A_20 = %scan3A) -> (i32)  : i32 {
      %mul3A_21 = arith.constant 128 : i32
      %mul3A_22 = arith.muli %scan3A_19, %mul3A_21 : i32
      %dma_start3A_23 = tpu.memref_slice %arg5[%mul3A_22] : memref<2440xi32, #tpu.memory_space<vmem>> -> memref<128xi32, #tpu.memory_space<vmem>>
      %dma_start3A_24 = arith.constant 0 : i32
      %dma_start3A_25 = arith.constant 0 : i32
      %dma_start3A_26 = tpu.memref_slice %arg2[%dma_start3A_24, %dma_start3A_25] : memref<10000x128xf32, #tpu.memory_space<hbm>> -> memref<10000x128xf32, #tpu.memory_space<hbm>>
      tpu.enqueue_indirect_dma source(%dma_start3A_26 : memref<10000x128xf32, #tpu.memory_space<hbm>>) target(%arg6 : memref<128x128xf32, #tpu.memory_space<vmem>>) offsets(%dma_start3A_23 : memref<128xi32, #tpu.memory_space<vmem>>) semaphore(%arg8 : memref<!tpu.dma_semaphore, #tpu.memory_space<semaphore_mem>>)
      %dma_wait3A_27 = tpu.memref_slice %arg5[%mul3A_22] : memref<2440xi32, #tpu.memory_space<vmem>> -> memref<128xi32, #tpu.memory_space<vmem>>
      %dma_wait3A_28 = arith.constant 0 : i32
      %dma_wait3A_29 = arith.constant 0 : i32
      %dma_wait3A_30 = tpu.memref_slice %arg2[%dma_wait3A_28, %dma_wait3A_29] : memref<10000x128xf32, #tpu.memory_space<hbm>> -> memref<10000x128xf32, #tpu.memory_space<hbm>>
      tpu.wait_indirect_dma semaphore(%arg8 : memref<!tpu.dma_semaphore, #tpu.memory_space<semaphore_mem>>) src(%dma_wait3A_30 : memref<10000x128xf32, #tpu.memory_space<hbm>>) dst(%arg6 : memref<128x128xf32, #tpu.memory_space<vmem>>)
      %add3A_31 = arith.addi %mul3A_2, %mul3A_22 : i32
      "tpu.region"() ({
        %run_scoped3A = tpu.sem_alloc : memref<!tpu.dma_semaphore, #tpu.memory_space<semaphore_mem>>
        %dma_start3A_33 = arith.constant 0 : i32
        %dma_start3A_34 = tpu.memref_slice %arg4[%add3A_31, %dma_start3A_33] : memref<78080x128xf32, #tpu.memory_space<hbm>> -> memref<128x128xf32, #tpu.memory_space<hbm>>
        %dma_start3A_35 = arith.constant 0 : i32
        %dma_start3A_36 = tpu.memref_slice %arg4[%add3A_31, %dma_start3A_35] : memref<78080x128xf32, #tpu.memory_space<hbm>> -> memref<128x128xf32, #tpu.memory_space<hbm>>
        tpu.enqueue_dma source(%arg6 : memref<128x128xf32, #tpu.memory_space<vmem>>) target(%dma_start3A_36 : memref<128x128xf32, #tpu.memory_space<hbm>>) target_semaphore(%run_scoped3A : memref<!tpu.dma_semaphore, #tpu.memory_space<semaphore_mem>>)
        %dma_wait3A_37 = arith.constant 0 : i32
        %dma_wait3A_38 = tpu.memref_slice %arg4[%add3A_31, %dma_wait3A_37] : memref<78080x128xf32, #tpu.memory_space<hbm>> -> memref<128x128xf32, #tpu.memory_space<hbm>>
        %dma_wait3A_39 = arith.constant 0 : i32
        %dma_wait3A_40 = tpu.memref_slice %arg4[%add3A_31, %dma_wait3A_39] : memref<78080x128xf32, #tpu.memory_space<hbm>> -> memref<128x128xf32, #tpu.memory_space<hbm>>
        tpu.wait_dma2 semaphore(%run_scoped3A : memref<!tpu.dma_semaphore, #tpu.memory_space<semaphore_mem>>) src(%arg6 : memref<128x128xf32, #tpu.memory_space<vmem>>) dst(%dma_wait3A_40 : memref<128x128xf32, #tpu.memory_space<hbm>>)
        tpu.yield
      }) : () -> ()
      %scan3A_32 = arith.constant 0 : i32
      scf.yield %scan3A_32 : i32
    }
    %scan3A_8 = arith.constant 19 : i32
    %dma_start3A = arith.constant 2432 : i32
    %dma_start3A_9 = tpu.memref_slice %arg5[%dma_start3A] : memref<2440xi32, #tpu.memory_space<vmem>> -> memref<8xi32, #tpu.memory_space<vmem>>
    %dma_start3A_10 = arith.constant 0 : i32
    %dma_start3A_11 = arith.constant 0 : i32
    %dma_start3A_12 = tpu.memref_slice %arg2[%dma_start3A_10, %dma_start3A_11] : memref<10000x128xf32, #tpu.memory_space<hbm>> -> memref<10000x128xf32, #tpu.memory_space<hbm>>
    tpu.enqueue_indirect_dma source(%dma_start3A_12 : memref<10000x128xf32, #tpu.memory_space<hbm>>) target(%arg7 : memref<8x128xf32, #tpu.memory_space<vmem>>) offsets(%dma_start3A_9 : memref<8xi32, #tpu.memory_space<vmem>>) semaphore(%arg8 : memref<!tpu.dma_semaphore, #tpu.memory_space<semaphore_mem>>)
    %dma_wait3A = arith.constant 2432 : i32
    %dma_wait3A_13 = tpu.memref_slice %arg5[%dma_wait3A] : memref<2440xi32, #tpu.memory_space<vmem>> -> memref<8xi32, #tpu.memory_space<vmem>>
    %dma_wait3A_14 = arith.constant 0 : i32
    %dma_wait3A_15 = arith.constant 0 : i32
    %dma_wait3A_16 = tpu.memref_slice %arg2[%dma_wait3A_14, %dma_wait3A_15] : memref<10000x128xf32, #tpu.memory_space<hbm>> -> memref<10000x128xf32, #tpu.memory_space<hbm>>
    tpu.wait_indirect_dma semaphore(%arg8 : memref<!tpu.dma_semaphore, #tpu.memory_space<semaphore_mem>>) src(%dma_wait3A_16 : memref<10000x128xf32, #tpu.memory_space<hbm>>) dst(%arg7 : memref<8x128xf32, #tpu.memory_space<vmem>>)
    %add3A_17 = arith.constant 2432 : i32
    %add3A_18 = arith.addi %mul3A_2, %add3A_17 : i32
    "tpu.region"() ({
      %run_scoped3A = tpu.sem_alloc : memref<!tpu.dma_semaphore, #tpu.memory_space<semaphore_mem>>
      %dma_start3A_19 = arith.constant 0 : i32
      %dma_start3A_20 = tpu.memref_slice %arg4[%add3A_18, %dma_start3A_19] : memref<78080x128xf32, #tpu.memory_space<hbm>> -> memref<8x128xf32, #tpu.memory_space<hbm>>
      %dma_start3A_21 = arith.constant 0 : i32
      %dma_start3A_22 = tpu.memref_slice %arg4[%add3A_18, %dma_start3A_21] : memref<78080x128xf32, #tpu.memory_space<hbm>> -> memref<8x128xf32, #tpu.memory_space<hbm>>
      tpu.enqueue_dma source(%arg7 : memref<8x128xf32, #tpu.memory_space<vmem>>) target(%dma_start3A_22 : memref<8x128xf32, #tpu.memory_space<hbm>>) target_semaphore(%run_scoped3A : memref<!tpu.dma_semaphore, #tpu.memory_space<semaphore_mem>>)
      %dma_wait3A_23 = arith.constant 0 : i32
      %dma_wait3A_24 = tpu.memref_slice %arg4[%add3A_18, %dma_wait3A_23] : memref<78080x128xf32, #tpu.memory_space<hbm>> -> memref<8x128xf32, #tpu.memory_space<hbm>>
      %dma_wait3A_25 = arith.constant 0 : i32
      %dma_wait3A_26 = tpu.memref_slice %arg4[%add3A_18, %dma_wait3A_25] : memref<78080x128xf32, #tpu.memory_space<hbm>> -> memref<8x128xf32, #tpu.memory_space<hbm>>
      tpu.wait_dma2 semaphore(%run_scoped3A : memref<!tpu.dma_semaphore, #tpu.memory_space<semaphore_mem>>) src(%arg7 : memref<8x128xf32, #tpu.memory_space<vmem>>) dst(%dma_wait3A_26 : memref<8x128xf32, #tpu.memory_space<hbm>>)
      tpu.yield
    }) : () -> ()
    return
  }
}

module attributes {stable_mosaic.version = 14 : i64} {
  func.func @_compute_body(%arg0: i32, %arg1: memref<1280x128xf32, #tpu.memory_space<vmem>>, %arg2: memref<8x1280xf32, #tpu.memory_space<vmem>>, %arg3: memref<768x1024xbf16, #tpu.memory_space<vmem>>, %arg4: memref<8x1024xbf16, #tpu.memory_space<vmem>>, %arg5: memref<6x768xbf16, #tpu.memory_space<vmem>>, %arg6: memref<1280x128xf32, #tpu.memory_space<vmem>>) attributes {dimension_semantics = [#tpu.dimension_semantics<arbitrary>], iteration_bounds = array<i64: 64>, scalar_prefetch = 0 : i64, scratch_operands = 0 : i64, tpu.core_type = #tpu.core_type<tc>, window_params = [{transform_indices = @transform_0, window_bounds = array<i64: 1280, 128>}, {transform_indices = @transform_1, window_bounds = array<i64: 8, 1280>}, {pipeline_mode = #tpu.pipeline_mode<synchronous>, transform_indices = @transform_2, window_bounds = array<i64: 768, 1024>}, {pipeline_mode = #tpu.pipeline_mode<synchronous>, transform_indices = @transform_3, window_bounds = array<i64: 8, 1024>}, {pipeline_mode = #tpu.pipeline_mode<synchronous>, transform_indices = @transform_4, window_bounds = array<i64: 6, 768>}, {transform_indices = @transform_5, window_bounds = array<i64: 1280, 128>}]} {
    %get3A = arith.constant 0 : index
    %get3A_0 = arith.constant 0 : index
    %get3A_1 = vector.load %arg1[%get3A, %get3A_0] : memref<1280x128xf32, #tpu.memory_space<vmem>>, vector<1280x128xf32>
    %convert_element_type3A = arith.truncf %get3A_1 : vector<1280x128xf32> to vector<1280x128xbf16>
    %get3A_2 = arith.constant 0 : index
    %get3A_3 = arith.constant 0 : index
    %get3A_4 = vector.load %arg2[%get3A_2, %get3A_3] : memref<8x1280xf32, #tpu.memory_space<vmem>>, vector<8x1280xf32>
    %slice3A = vector.extract_strided_slice %get3A_4 {offsets = [0, 0], sizes = [1, 1280], strides = [1, 1]} : vector<8x1280xf32> to vector<1x1280xf32>
    %slice3A_5 = vector.extract_strided_slice %get3A_4 {offsets = [1, 0], sizes = [1, 1280], strides = [1, 1]} : vector<8x1280xf32> to vector<1x1280xf32>
    %slice3A_6 = vector.extract_strided_slice %get3A_4 {offsets = [2, 0], sizes = [1, 1280], strides = [1, 1]} : vector<8x1280xf32> to vector<1x1280xf32>
    %mul3A = arith.mulf %slice3A, %slice3A : vector<1x1280xf32>
    %mul3A_7 = arith.mulf %slice3A_5, %slice3A_5 : vector<1x1280xf32>
    %add3A = arith.addf %mul3A, %mul3A_7 : vector<1x1280xf32>
    %mul3A_8 = arith.mulf %slice3A_6, %slice3A_6 : vector<1x1280xf32>
    %add3A_9 = arith.addf %add3A, %mul3A_8 : vector<1x1280xf32>
    %sqrt3A = math.sqrt %add3A_9 : vector<1x1280xf32>
    %add3A_10 = arith.constant 9.99999993E-9 : f32
    %add3A_11 = vector.broadcast %add3A_10 : f32 to vector<1x1280xf32>
    %add3A_12 = arith.addf %sqrt3A, %add3A_11 : vector<1x1280xf32>
    %div3A = arith.constant 1.000000e+00 : f32
    %div3A_13 = vector.broadcast %div3A : f32 to vector<1x1280xf32>
    %div3A_14 = arith.divf %div3A_13, %add3A_12 : vector<1x1280xf32>
    %mul3A_15 = arith.mulf %slice3A, %div3A_14 : vector<1x1280xf32>
    %mul3A_16 = arith.mulf %slice3A_5, %div3A_14 : vector<1x1280xf32>
    %mul3A_17 = arith.mulf %slice3A_6, %div3A_14 : vector<1x1280xf32>
    %broadcast_in_dim3A = arith.constant 1.000000e+00 : f32
    %broadcast_in_dim3A_18 = vector.broadcast %broadcast_in_dim3A : f32 to vector<1x1280xf32>
    %mul3A_19 = arith.mulf %mul3A_15, %mul3A_16 : vector<1x1280xf32>
    %mul3A_20 = arith.mulf %mul3A_17, %mul3A_17 : vector<1x1280xf32>
    %sub3A = arith.constant 0.333333343 : f32
    %sub3A_21 = vector.broadcast %sub3A : f32 to vector<1x1280xf32>
    %sub3A_22 = arith.subf %mul3A_20, %sub3A_21 : vector<1x1280xf32>
    %concatenate3A = tpu.concatenate %broadcast_in_dim3A_18, %mul3A_15, %mul3A_16, %mul3A_17, %mul3A_19, %sub3A_22 in 0 : vector<1x1280xf32>, vector<1x1280xf32>, vector<1x1280xf32>, vector<1x1280xf32>, vector<1x1280xf32>, vector<1x1280xf32> -> vector<6x1280xf32>
    %broadcast_in_dim3A_23 = vector.shape_cast %sqrt3A : vector<1x1280xf32> to vector<1x1280xf32>
    %broadcast_in_dim3A_24 = vector.broadcast %broadcast_in_dim3A_23 : vector<1x1280xf32> to vector<8x1280xf32>
    %iota3A = tpu.iota {dimensions = array<i32: 0>} : vector<8x1xi32>
    %convert_element_type3A_25 = arith.sitofp %iota3A : vector<8x1xi32> to vector<8x1xf32>
    %mul3A_26 = arith.constant 0.285714298 : f32
    %mul3A_27 = vector.broadcast %mul3A_26 : f32 to vector<8x1xf32>
    %mul3A_28 = arith.mulf %convert_element_type3A_25, %mul3A_27 : vector<8x1xf32>
    %sub3A_29 = vector.broadcast %mul3A_28 : vector<8x1xf32> to vector<8x1280xf32>
    %sub3A_30 = arith.subf %broadcast_in_dim3A_24, %sub3A_29 : vector<8x1280xf32>
    %integer_pow3A = arith.mulf %sub3A_30, %sub3A_30 : vector<8x1280xf32>
    %neg3A = arith.constant 0.000000e+00 : f32
    %neg3A_31 = vector.broadcast %neg3A : f32 to vector<8x1280xf32>
    %neg3A_32 = arith.subf %neg3A_31, %integer_pow3A : vector<8x1280xf32>
    %mul3A_33 = arith.constant 2.000000e+00 : f32
    %mul3A_34 = vector.broadcast %mul3A_33 : f32 to vector<8x1280xf32>
    %mul3A_35 = arith.mulf %neg3A_32, %mul3A_34 : vector<8x1280xf32>
    %exp3A = math.exp %mul3A_35 : vector<8x1280xf32>
    %convert_element_type3A_36 = arith.truncf %exp3A : vector<8x1280xf32> to vector<8x1280xbf16>
    %get3A_37 = arith.constant 0 : index
    %get3A_38 = arith.constant 0 : index
    %get3A_39 = vector.load %arg4[%get3A_37, %get3A_38] : memref<8x1024xbf16, #tpu.memory_space<vmem>>, vector<8x1024xbf16>
    %dot_general3A = arith.constant dense<0.000000e+00> : vector<1280x1024xf32>
    %dot_general3A_40 = tpu.matmul %convert_element_type3A_36, %get3A_39, %dot_general3A {dimension_numbers = #tpu.dot_dimension_numbers<[0], [0], [1], [1], [0, 1, 1, 1], [], []>, transpose_lhs_hint = false} : vector<8x1280xbf16>, vector<8x1024xbf16>, vector<1280x1024xf32> -> vector<1280x1024xf32>
    %convert_element_type3A_41 = arith.truncf %concatenate3A : vector<6x1280xf32> to vector<6x1280xbf16>
    %get3A_42 = arith.constant 0 : index
    %get3A_43 = arith.constant 0 : index
    %get3A_44 = vector.load %arg5[%get3A_42, %get3A_43] : memref<6x768xbf16, #tpu.memory_space<vmem>>, vector<6x768xbf16>
    %dot_general3A_45 = arith.constant dense<0.000000e+00> : vector<1280x768xf32>
    %dot_general3A_46 = tpu.matmul %convert_element_type3A_41, %get3A_44, %dot_general3A_45 {dimension_numbers = #tpu.dot_dimension_numbers<[0], [0], [1], [1], [0, 1, 1, 1], [], []>, transpose_lhs_hint = false} : vector<6x1280xbf16>, vector<6x768xbf16>, vector<1280x768xf32> -> vector<1280x768xf32>
    %convert_element_type3A_47 = arith.truncf %dot_general3A_46 : vector<1280x768xf32> to vector<1280x768xbf16>
    %slice3A_48 = vector.extract_strided_slice %convert_element_type3A_47 {offsets = [0, 128], sizes = [1280, 128], strides = [1, 1]} : vector<1280x768xbf16> to vector<1280x128xbf16>
    %mul3A_49 = arith.mulf %convert_element_type3A, %slice3A_48 : vector<1280x128xbf16>
    %slice3A_50 = vector.extract_strided_slice %convert_element_type3A_47 {offsets = [0, 256], sizes = [1280, 128], strides = [1, 1]} : vector<1280x768xbf16> to vector<1280x128xbf16>
    %mul3A_51 = arith.mulf %convert_element_type3A, %slice3A_50 : vector<1280x128xbf16>
    %slice3A_52 = vector.extract_strided_slice %convert_element_type3A_47 {offsets = [0, 384], sizes = [1280, 128], strides = [1, 1]} : vector<1280x768xbf16> to vector<1280x128xbf16>
    %mul3A_53 = arith.mulf %convert_element_type3A, %slice3A_52 : vector<1280x128xbf16>
    %slice3A_54 = vector.extract_strided_slice %convert_element_type3A_47 {offsets = [0, 512], sizes = [1280, 128], strides = [1, 1]} : vector<1280x768xbf16> to vector<1280x128xbf16>
    %mul3A_55 = arith.mulf %convert_element_type3A, %slice3A_54 : vector<1280x128xbf16>
    %slice3A_56 = vector.extract_strided_slice %convert_element_type3A_47 {offsets = [0, 640], sizes = [1280, 128], strides = [1, 1]} : vector<1280x768xbf16> to vector<1280x128xbf16>
    %mul3A_57 = arith.mulf %convert_element_type3A, %slice3A_56 : vector<1280x128xbf16>
    %concatenate3A_58 = tpu.concatenate %convert_element_type3A, %mul3A_49, %mul3A_51, %mul3A_53, %mul3A_55, %mul3A_57 in 1 : vector<1280x128xbf16>, vector<1280x128xbf16>, vector<1280x128xbf16>, vector<1280x128xbf16>, vector<1280x128xbf16>, vector<1280x128xbf16> -> vector<1280x768xbf16>
    %get3A_59 = arith.constant 0 : index
    %get3A_60 = arith.constant 0 : index
    %get3A_61 = vector.load %arg3[%get3A_59, %get3A_60] : memref<768x1024xbf16, #tpu.memory_space<vmem>>, vector<768x1024xbf16>
    %dot_general3A_62 = arith.constant dense<0.000000e+00> : vector<1280x1024xf32>
    %dot_general3A_63 = tpu.matmul %concatenate3A_58, %get3A_61, %dot_general3A_62 {dimension_numbers = #tpu.dot_dimension_numbers<[1], [0], [0], [1], [0, 0, 1, 1], [], []>, transpose_lhs_hint = false} : vector<1280x768xbf16>, vector<768x1024xbf16>, vector<1280x1024xf32> -> vector<1280x1024xf32>
    %slice3A_64 = vector.extract_strided_slice %dot_general3A_40 {offsets = [0, 0], sizes = [1280, 128], strides = [1, 1]} : vector<1280x1024xf32> to vector<1280x128xf32>
    %slice3A_65 = vector.extract_strided_slice %dot_general3A_63 {offsets = [0, 0], sizes = [1280, 128], strides = [1, 1]} : vector<1280x1024xf32> to vector<1280x128xf32>
    %mul3A_66 = arith.mulf %slice3A_64, %slice3A_65 : vector<1280x128xf32>
    %slice3A_67 = vector.extract_strided_slice %dot_general3A_40 {offsets = [0, 128], sizes = [1280, 128], strides = [1, 1]} : vector<1280x1024xf32> to vector<1280x128xf32>
    %slice3A_68 = vector.extract_strided_slice %dot_general3A_63 {offsets = [0, 128], sizes = [1280, 128], strides = [1, 1]} : vector<1280x1024xf32> to vector<1280x128xf32>
    %mul3A_69 = arith.mulf %slice3A_67, %slice3A_68 : vector<1280x128xf32>
    %add3A_70 = arith.addf %mul3A_66, %mul3A_69 : vector<1280x128xf32>
    %slice3A_71 = vector.extract_strided_slice %dot_general3A_40 {offsets = [0, 256], sizes = [1280, 128], strides = [1, 1]} : vector<1280x1024xf32> to vector<1280x128xf32>
    %slice3A_72 = vector.extract_strided_slice %dot_general3A_63 {offsets = [0, 256], sizes = [1280, 128], strides = [1, 1]} : vector<1280x1024xf32> to vector<1280x128xf32>
    %mul3A_73 = arith.mulf %slice3A_71, %slice3A_72 : vector<1280x128xf32>
    %add3A_74 = arith.addf %add3A_70, %mul3A_73 : vector<1280x128xf32>
    %slice3A_75 = vector.extract_strided_slice %dot_general3A_40 {offsets = [0, 384], sizes = [1280, 128], strides = [1, 1]} : vector<1280x1024xf32> to vector<1280x128xf32>
    %slice3A_76 = vector.extract_strided_slice %dot_general3A_63 {offsets = [0, 384], sizes = [1280, 128], strides = [1, 1]} : vector<1280x1024xf32> to vector<1280x128xf32>
    %mul3A_77 = arith.mulf %slice3A_75, %slice3A_76 : vector<1280x128xf32>
    %add3A_78 = arith.addf %add3A_74, %mul3A_77 : vector<1280x128xf32>
    %slice3A_79 = vector.extract_strided_slice %dot_general3A_40 {offsets = [0, 512], sizes = [1280, 128], strides = [1, 1]} : vector<1280x1024xf32> to vector<1280x128xf32>
    %slice3A_80 = vector.extract_strided_slice %dot_general3A_63 {offsets = [0, 512], sizes = [1280, 128], strides = [1, 1]} : vector<1280x1024xf32> to vector<1280x128xf32>
    %mul3A_81 = arith.mulf %slice3A_79, %slice3A_80 : vector<1280x128xf32>
    %add3A_82 = arith.addf %add3A_78, %mul3A_81 : vector<1280x128xf32>
    %slice3A_83 = vector.extract_strided_slice %dot_general3A_40 {offsets = [0, 640], sizes = [1280, 128], strides = [1, 1]} : vector<1280x1024xf32> to vector<1280x128xf32>
    %slice3A_84 = vector.extract_strided_slice %dot_general3A_63 {offsets = [0, 640], sizes = [1280, 128], strides = [1, 1]} : vector<1280x1024xf32> to vector<1280x128xf32>
    %mul3A_85 = arith.mulf %slice3A_83, %slice3A_84 : vector<1280x128xf32>
    %add3A_86 = arith.addf %add3A_82, %mul3A_85 : vector<1280x128xf32>
    %slice3A_87 = vector.extract_strided_slice %dot_general3A_40 {offsets = [0, 768], sizes = [1280, 128], strides = [1, 1]} : vector<1280x1024xf32> to vector<1280x128xf32>
    %slice3A_88 = vector.extract_strided_slice %dot_general3A_63 {offsets = [0, 768], sizes = [1280, 128], strides = [1, 1]} : vector<1280x1024xf32> to vector<1280x128xf32>
    %mul3A_89 = arith.mulf %slice3A_87, %slice3A_88 : vector<1280x128xf32>
    %add3A_90 = arith.addf %add3A_86, %mul3A_89 : vector<1280x128xf32>
    %slice3A_91 = vector.extract_strided_slice %dot_general3A_40 {offsets = [0, 896], sizes = [1280, 128], strides = [1, 1]} : vector<1280x1024xf32> to vector<1280x128xf32>
    %slice3A_92 = vector.extract_strided_slice %dot_general3A_63 {offsets = [0, 896], sizes = [1280, 128], strides = [1, 1]} : vector<1280x1024xf32> to vector<1280x128xf32>
    %mul3A_93 = arith.mulf %slice3A_91, %slice3A_92 : vector<1280x128xf32>
    %add3A_94 = arith.addf %add3A_90, %mul3A_93 : vector<1280x128xf32>
    %swap3A = arith.constant 0 : index
    %swap3A_95 = arith.constant 0 : index
    %swap3A_96 = vector.load %arg6[%swap3A, %swap3A_95] : memref<1280x128xf32, #tpu.memory_space<vmem>>, vector<1280x128xf32>
    tpu.vector_store %arg6[%swap3A, %swap3A_95], %add3A_94 {strides = array<i32>} : memref<1280x128xf32, #tpu.memory_space<vmem>>, vector<1280x128xf32>,
    return
  }
  func.func @transform_0(%arg0: i32) -> (i32, i32) {
    %c0_i32 = arith.constant 0 : i32
    %c0_i32_0 = arith.constant 0 : i32
    return %arg0, %c0_i32 : i32, i32
  }
  func.func @transform_1(%arg0: i32) -> (i32, i32) {
    %c0_i32 = arith.constant 0 : i32
    %c0_i32_0 = arith.constant 0 : i32
    return %c0_i32, %arg0 : i32, i32
  }
  func.func @transform_2(%arg0: i32) -> (i32, i32) {
    %c0_i32 = arith.constant 0 : i32
    %c0_i32_0 = arith.constant 0 : i32
    %c0_i32_1 = arith.constant 0 : i32
    return %c0_i32, %c0_i32_0 : i32, i32
  }
  func.func @transform_3(%arg0: i32) -> (i32, i32) {
    %c0_i32 = arith.constant 0 : i32
    %c0_i32_0 = arith.constant 0 : i32
    %c0_i32_1 = arith.constant 0 : i32
    return %c0_i32, %c0_i32_0 : i32, i32
  }
  func.func @transform_4(%arg0: i32) -> (i32, i32) {
    %c0_i32 = arith.constant 0 : i32
    %c0_i32_0 = arith.constant 0 : i32
    %c0_i32_1 = arith.constant 0 : i32
    return %c0_i32, %c0_i32_0 : i32, i32
  }
  func.func @transform_5(%arg0: i32) -> (i32, i32) {
    %c0_i32 = arith.constant 0 : i32
    %c0_i32_0 = arith.constant 0 : i32
    return %arg0, %c0_i32 : i32, i32
  }
}

module attributes {stable_mosaic.version = 14 : i64} {
  func.func @_compute_body(%arg0: i32, %arg1: memref<1280x128xf32, #tpu.memory_space<vmem>>, %arg2: memref<8x1280xf32, #tpu.memory_space<vmem>>, %arg3: memref<768x1024xbf16, #tpu.memory_space<vmem>>, %arg4: memref<8x1024xbf16, #tpu.memory_space<vmem>>, %arg5: memref<6x768xbf16, #tpu.memory_space<vmem>>, %arg6: memref<1280x128xf32, #tpu.memory_space<vmem>>) attributes {dimension_semantics = [#tpu.dimension_semantics<arbitrary>], iteration_bounds = array<i64: 61>, scalar_prefetch = 0 : i64, scratch_operands = 0 : i64, tpu.core_type = #tpu.core_type<tc>, window_params = [{transform_indices = @transform_0, window_bounds = array<i64: 1280, 128>}, {transform_indices = @transform_1, window_bounds = array<i64: 8, 1280>}, {pipeline_mode = #tpu.pipeline_mode<synchronous>, transform_indices = @transform_2, window_bounds = array<i64: 768, 1024>}, {pipeline_mode = #tpu.pipeline_mode<synchronous>, transform_indices = @transform_3, window_bounds = array<i64: 8, 1024>}, {pipeline_mode = #tpu.pipeline_mode<synchronous>, transform_indices = @transform_4, window_bounds = array<i64: 6, 768>}, {transform_indices = @transform_5, window_bounds = array<i64: 1280, 128>}]} {
    %get3A = arith.constant 0 : index
    %get3A_0 = arith.constant 0 : index
    %get3A_1 = vector.load %arg1[%get3A, %get3A_0] : memref<1280x128xf32, #tpu.memory_space<vmem>>, vector<1280x128xf32>
    %convert_element_type3A = arith.truncf %get3A_1 : vector<1280x128xf32> to vector<1280x128xbf16>
    %get3A_2 = arith.constant 0 : index
    %get3A_3 = arith.constant 0 : index
    %get3A_4 = vector.load %arg2[%get3A_2, %get3A_3] : memref<8x1280xf32, #tpu.memory_space<vmem>>, vector<8x1280xf32>
    %slice3A = vector.extract_strided_slice %get3A_4 {offsets = [0, 0], sizes = [1, 1280], strides = [1, 1]} : vector<8x1280xf32> to vector<1x1280xf32>
    %slice3A_5 = vector.extract_strided_slice %get3A_4 {offsets = [1, 0], sizes = [1, 1280], strides = [1, 1]} : vector<8x1280xf32> to vector<1x1280xf32>
    %slice3A_6 = vector.extract_strided_slice %get3A_4 {offsets = [2, 0], sizes = [1, 1280], strides = [1, 1]} : vector<8x1280xf32> to vector<1x1280xf32>
    %mul3A = arith.mulf %slice3A, %slice3A : vector<1x1280xf32>
    %mul3A_7 = arith.mulf %slice3A_5, %slice3A_5 : vector<1x1280xf32>
    %add3A = arith.addf %mul3A, %mul3A_7 : vector<1x1280xf32>
    %mul3A_8 = arith.mulf %slice3A_6, %slice3A_6 : vector<1x1280xf32>
    %add3A_9 = arith.addf %add3A, %mul3A_8 : vector<1x1280xf32>
    %sqrt3A = math.sqrt %add3A_9 : vector<1x1280xf32>
    %add3A_10 = arith.constant 9.99999993E-9 : f32
    %add3A_11 = vector.broadcast %add3A_10 : f32 to vector<1x1280xf32>
    %add3A_12 = arith.addf %sqrt3A, %add3A_11 : vector<1x1280xf32>
    %div3A = arith.constant 1.000000e+00 : f32
    %div3A_13 = vector.broadcast %div3A : f32 to vector<1x1280xf32>
    %div3A_14 = arith.divf %div3A_13, %add3A_12 : vector<1x1280xf32>
    %mul3A_15 = arith.mulf %slice3A, %div3A_14 : vector<1x1280xf32>
    %mul3A_16 = arith.mulf %slice3A_5, %div3A_14 : vector<1x1280xf32>
    %mul3A_17 = arith.mulf %slice3A_6, %div3A_14 : vector<1x1280xf32>
    %broadcast_in_dim3A = arith.constant 1.000000e+00 : f32
    %broadcast_in_dim3A_18 = vector.broadcast %broadcast_in_dim3A : f32 to vector<1x1280xf32>
    %mul3A_19 = arith.mulf %mul3A_15, %mul3A_16 : vector<1x1280xf32>
    %mul3A_20 = arith.mulf %mul3A_17, %mul3A_17 : vector<1x1280xf32>
    %sub3A = arith.constant 0.333333343 : f32
    %sub3A_21 = vector.broadcast %sub3A : f32 to vector<1x1280xf32>
    %sub3A_22 = arith.subf %mul3A_20, %sub3A_21 : vector<1x1280xf32>
    %concatenate3A = tpu.concatenate %broadcast_in_dim3A_18, %mul3A_15, %mul3A_16, %mul3A_17, %mul3A_19, %sub3A_22 in 0 : vector<1x1280xf32>, vector<1x1280xf32>, vector<1x1280xf32>, vector<1x1280xf32>, vector<1x1280xf32>, vector<1x1280xf32> -> vector<6x1280xf32>
    %broadcast_in_dim3A_23 = vector.shape_cast %sqrt3A : vector<1x1280xf32> to vector<1x1280xf32>
    %broadcast_in_dim3A_24 = vector.broadcast %broadcast_in_dim3A_23 : vector<1x1280xf32> to vector<8x1280xf32>
    %iota3A = tpu.iota {dimensions = array<i32: 0>} : vector<8x1xi32>
    %convert_element_type3A_25 = arith.sitofp %iota3A : vector<8x1xi32> to vector<8x1xf32>
    %mul3A_26 = arith.constant 0.285714298 : f32
    %mul3A_27 = vector.broadcast %mul3A_26 : f32 to vector<8x1xf32>
    %mul3A_28 = arith.mulf %convert_element_type3A_25, %mul3A_27 : vector<8x1xf32>
    %sub3A_29 = vector.broadcast %mul3A_28 : vector<8x1xf32> to vector<8x1280xf32>
    %sub3A_30 = arith.subf %broadcast_in_dim3A_24, %sub3A_29 : vector<8x1280xf32>
    %integer_pow3A = arith.mulf %sub3A_30, %sub3A_30 : vector<8x1280xf32>
    %neg3A = arith.constant 0.000000e+00 : f32
    %neg3A_31 = vector.broadcast %neg3A : f32 to vector<8x1280xf32>
    %neg3A_32 = arith.subf %neg3A_31, %integer_pow3A : vector<8x1280xf32>
    %mul3A_33 = arith.constant 2.000000e+00 : f32
    %mul3A_34 = vector.broadcast %mul3A_33 : f32 to vector<8x1280xf32>
    %mul3A_35 = arith.mulf %neg3A_32, %mul3A_34 : vector<8x1280xf32>
    %exp3A = math.exp %mul3A_35 : vector<8x1280xf32>
    %convert_element_type3A_36 = arith.truncf %exp3A : vector<8x1280xf32> to vector<8x1280xbf16>
    %get3A_37 = arith.constant 0 : index
    %get3A_38 = arith.constant 0 : index
    %get3A_39 = vector.load %arg4[%get3A_37, %get3A_38] : memref<8x1024xbf16, #tpu.memory_space<vmem>>, vector<8x1024xbf16>
    %dot_general3A = arith.constant dense<0.000000e+00> : vector<1280x1024xf32>
    %dot_general3A_40 = tpu.matmul %convert_element_type3A_36, %get3A_39, %dot_general3A {dimension_numbers = #tpu.dot_dimension_numbers<[0], [0], [1], [1], [0, 1, 1, 1], [], []>, transpose_lhs_hint = false} : vector<8x1280xbf16>, vector<8x1024xbf16>, vector<1280x1024xf32> -> vector<1280x1024xf32>
    %convert_element_type3A_41 = arith.truncf %concatenate3A : vector<6x1280xf32> to vector<6x1280xbf16>
    %get3A_42 = arith.constant 0 : index
    %get3A_43 = arith.constant 0 : index
    %get3A_44 = vector.load %arg5[%get3A_42, %get3A_43] : memref<6x768xbf16, #tpu.memory_space<vmem>>, vector<6x768xbf16>
    %dot_general3A_45 = arith.constant dense<0.000000e+00> : vector<1280x768xf32>
    %dot_general3A_46 = tpu.matmul %convert_element_type3A_41, %get3A_44, %dot_general3A_45 {dimension_numbers = #tpu.dot_dimension_numbers<[0], [0], [1], [1], [0, 1, 1, 1], [], []>, transpose_lhs_hint = false} : vector<6x1280xbf16>, vector<6x768xbf16>, vector<1280x768xf32> -> vector<1280x768xf32>
    %convert_element_type3A_47 = arith.truncf %dot_general3A_46 : vector<1280x768xf32> to vector<1280x768xbf16>
    %slice3A_48 = vector.extract_strided_slice %convert_element_type3A_47 {offsets = [0, 128], sizes = [1280, 128], strides = [1, 1]} : vector<1280x768xbf16> to vector<1280x128xbf16>
    %mul3A_49 = arith.mulf %convert_element_type3A, %slice3A_48 : vector<1280x128xbf16>
    %slice3A_50 = vector.extract_strided_slice %convert_element_type3A_47 {offsets = [0, 256], sizes = [1280, 128], strides = [1, 1]} : vector<1280x768xbf16> to vector<1280x128xbf16>
    %mul3A_51 = arith.mulf %convert_element_type3A, %slice3A_50 : vector<1280x128xbf16>
    %slice3A_52 = vector.extract_strided_slice %convert_element_type3A_47 {offsets = [0, 384], sizes = [1280, 128], strides = [1, 1]} : vector<1280x768xbf16> to vector<1280x128xbf16>
    %mul3A_53 = arith.mulf %convert_element_type3A, %slice3A_52 : vector<1280x128xbf16>
    %slice3A_54 = vector.extract_strided_slice %convert_element_type3A_47 {offsets = [0, 512], sizes = [1280, 128], strides = [1, 1]} : vector<1280x768xbf16> to vector<1280x128xbf16>
    %mul3A_55 = arith.mulf %convert_element_type3A, %slice3A_54 : vector<1280x128xbf16>
    %slice3A_56 = vector.extract_strided_slice %convert_element_type3A_47 {offsets = [0, 640], sizes = [1280, 128], strides = [1, 1]} : vector<1280x768xbf16> to vector<1280x128xbf16>
    %mul3A_57 = arith.mulf %convert_element_type3A, %slice3A_56 : vector<1280x128xbf16>
    %concatenate3A_58 = tpu.concatenate %convert_element_type3A, %mul3A_49, %mul3A_51, %mul3A_53, %mul3A_55, %mul3A_57 in 1 : vector<1280x128xbf16>, vector<1280x128xbf16>, vector<1280x128xbf16>, vector<1280x128xbf16>, vector<1280x128xbf16>, vector<1280x128xbf16> -> vector<1280x768xbf16>
    %get3A_59 = arith.constant 0 : index
    %get3A_60 = arith.constant 0 : index
    %get3A_61 = vector.load %arg3[%get3A_59, %get3A_60] : memref<768x1024xbf16, #tpu.memory_space<vmem>>, vector<768x1024xbf16>
    %dot_general3A_62 = arith.constant dense<0.000000e+00> : vector<1280x1024xf32>
    %dot_general3A_63 = tpu.matmul %concatenate3A_58, %get3A_61, %dot_general3A_62 {dimension_numbers = #tpu.dot_dimension_numbers<[1], [0], [0], [1], [0, 0, 1, 1], [], []>, transpose_lhs_hint = false} : vector<1280x768xbf16>, vector<768x1024xbf16>, vector<1280x1024xf32> -> vector<1280x1024xf32>
    %slice3A_64 = vector.extract_strided_slice %dot_general3A_40 {offsets = [0, 0], sizes = [1280, 128], strides = [1, 1]} : vector<1280x1024xf32> to vector<1280x128xf32>
    %slice3A_65 = vector.extract_strided_slice %dot_general3A_63 {offsets = [0, 0], sizes = [1280, 128], strides = [1, 1]} : vector<1280x1024xf32> to vector<1280x128xf32>
    %mul3A_66 = arith.mulf %slice3A_64, %slice3A_65 : vector<1280x128xf32>
    %slice3A_67 = vector.extract_strided_slice %dot_general3A_40 {offsets = [0, 128], sizes = [1280, 128], strides = [1, 1]} : vector<1280x1024xf32> to vector<1280x128xf32>
    %slice3A_68 = vector.extract_strided_slice %dot_general3A_63 {offsets = [0, 128], sizes = [1280, 128], strides = [1, 1]} : vector<1280x1024xf32> to vector<1280x128xf32>
    %mul3A_69 = arith.mulf %slice3A_67, %slice3A_68 : vector<1280x128xf32>
    %add3A_70 = arith.addf %mul3A_66, %mul3A_69 : vector<1280x128xf32>
    %slice3A_71 = vector.extract_strided_slice %dot_general3A_40 {offsets = [0, 256], sizes = [1280, 128], strides = [1, 1]} : vector<1280x1024xf32> to vector<1280x128xf32>
    %slice3A_72 = vector.extract_strided_slice %dot_general3A_63 {offsets = [0, 256], sizes = [1280, 128], strides = [1, 1]} : vector<1280x1024xf32> to vector<1280x128xf32>
    %mul3A_73 = arith.mulf %slice3A_71, %slice3A_72 : vector<1280x128xf32>
    %add3A_74 = arith.addf %add3A_70, %mul3A_73 : vector<1280x128xf32>
    %slice3A_75 = vector.extract_strided_slice %dot_general3A_40 {offsets = [0, 384], sizes = [1280, 128], strides = [1, 1]} : vector<1280x1024xf32> to vector<1280x128xf32>
    %slice3A_76 = vector.extract_strided_slice %dot_general3A_63 {offsets = [0, 384], sizes = [1280, 128], strides = [1, 1]} : vector<1280x1024xf32> to vector<1280x128xf32>
    %mul3A_77 = arith.mulf %slice3A_75, %slice3A_76 : vector<1280x128xf32>
    %add3A_78 = arith.addf %add3A_74, %mul3A_77 : vector<1280x128xf32>
    %slice3A_79 = vector.extract_strided_slice %dot_general3A_40 {offsets = [0, 512], sizes = [1280, 128], strides = [1, 1]} : vector<1280x1024xf32> to vector<1280x128xf32>
    %slice3A_80 = vector.extract_strided_slice %dot_general3A_63 {offsets = [0, 512], sizes = [1280, 128], strides = [1, 1]} : vector<1280x1024xf32> to vector<1280x128xf32>
    %mul3A_81 = arith.mulf %slice3A_79, %slice3A_80 : vector<1280x128xf32>
    %add3A_82 = arith.addf %add3A_78, %mul3A_81 : vector<1280x128xf32>
    %slice3A_83 = vector.extract_strided_slice %dot_general3A_40 {offsets = [0, 640], sizes = [1280, 128], strides = [1, 1]} : vector<1280x1024xf32> to vector<1280x128xf32>
    %slice3A_84 = vector.extract_strided_slice %dot_general3A_63 {offsets = [0, 640], sizes = [1280, 128], strides = [1, 1]} : vector<1280x1024xf32> to vector<1280x128xf32>
    %mul3A_85 = arith.mulf %slice3A_83, %slice3A_84 : vector<1280x128xf32>
    %add3A_86 = arith.addf %add3A_82, %mul3A_85 : vector<1280x128xf32>
    %slice3A_87 = vector.extract_strided_slice %dot_general3A_40 {offsets = [0, 768], sizes = [1280, 128], strides = [1, 1]} : vector<1280x1024xf32> to vector<1280x128xf32>
    %slice3A_88 = vector.extract_strided_slice %dot_general3A_63 {offsets = [0, 768], sizes = [1280, 128], strides = [1, 1]} : vector<1280x1024xf32> to vector<1280x128xf32>
    %mul3A_89 = arith.mulf %slice3A_87, %slice3A_88 : vector<1280x128xf32>
    %add3A_90 = arith.addf %add3A_86, %mul3A_89 : vector<1280x128xf32>
    %slice3A_91 = vector.extract_strided_slice %dot_general3A_40 {offsets = [0, 896], sizes = [1280, 128], strides = [1, 1]} : vector<1280x1024xf32> to vector<1280x128xf32>
    %slice3A_92 = vector.extract_strided_slice %dot_general3A_63 {offsets = [0, 896], sizes = [1280, 128], strides = [1, 1]} : vector<1280x1024xf32> to vector<1280x128xf32>
    %mul3A_93 = arith.mulf %slice3A_91, %slice3A_92 : vector<1280x128xf32>
    %add3A_94 = arith.addf %add3A_90, %mul3A_93 : vector<1280x128xf32>
    %swap3A = arith.constant 0 : index
    %swap3A_95 = arith.constant 0 : index
    %swap3A_96 = vector.load %arg6[%swap3A, %swap3A_95] : memref<1280x128xf32, #tpu.memory_space<vmem>>, vector<1280x128xf32>
    tpu.vector_store %arg6[%swap3A, %swap3A_95], %add3A_94 {strides = array<i32>} : memref<1280x128xf32, #tpu.memory_space<vmem>>, vector<1280x128xf32>,
    return
  }
  func.func @transform_0(%arg0: i32) -> (i32, i32) {
    %c0_i32 = arith.constant 0 : i32
    %c0_i32_0 = arith.constant 0 : i32
    return %arg0, %c0_i32 : i32, i32
  }
  func.func @transform_1(%arg0: i32) -> (i32, i32) {
    %c0_i32 = arith.constant 0 : i32
    %c0_i32_0 = arith.constant 0 : i32
    return %c0_i32, %arg0 : i32, i32
  }
  func.func @transform_2(%arg0: i32) -> (i32, i32) {
    %c0_i32 = arith.constant 0 : i32
    %c0_i32_0 = arith.constant 0 : i32
    %c0_i32_1 = arith.constant 0 : i32
    return %c0_i32, %c0_i32_0 : i32, i32
  }
  func.func @transform_3(%arg0: i32) -> (i32, i32) {
    %c0_i32 = arith.constant 0 : i32
    %c0_i32_0 = arith.constant 0 : i32
    %c0_i32_1 = arith.constant 0 : i32
    return %c0_i32, %c0_i32_0 : i32, i32
  }
  func.func @transform_4(%arg0: i32) -> (i32, i32) {
    %c0_i32 = arith.constant 0 : i32
    %c0_i32_0 = arith.constant 0 : i32
    %c0_i32_1 = arith.constant 0 : i32
    return %c0_i32, %c0_i32_0 : i32, i32
  }
  func.func @transform_5(%arg0: i32) -> (i32, i32) {
    %c0_i32 = arith.constant 0 : i32
    %c0_i32_0 = arith.constant 0 : i32
    return %arg0, %c0_i32 : i32, i32
  }
}

module attributes {stable_mosaic.version = 14 : i64} {
  func.func @_merge_body(%arg0: i32, %arg1: memref<1000x128xf32, #tpu.memory_space<vmem>>, %arg2: memref<1000x128xf32, #tpu.memory_space<vmem>>, %arg3: memref<1000x128xf32, #tpu.memory_space<vmem>>, %arg4: memref<1000x128xf32, #tpu.memory_space<vmem>>, %arg5: memref<1000x128xf32, #tpu.memory_space<vmem>>) attributes {dimension_semantics = [#tpu.dimension_semantics<arbitrary>], iteration_bounds = array<i64: 10>, scalar_prefetch = 0 : i64, scratch_operands = 0 : i64, tpu.core_type = #tpu.core_type<tc>, window_params = [{transform_indices = @transform_0, window_bounds = array<i64: 1000, 128>}, {transform_indices = @transform_1, window_bounds = array<i64: 1000, 128>}, {transform_indices = @transform_2, window_bounds = array<i64: 1000, 128>}, {transform_indices = @transform_3, window_bounds = array<i64: 1000, 128>}, {transform_indices = @transform_4, window_bounds = array<i64: 1000, 128>}]} {
    %get3A = arith.constant 0 : index
    %get3A_0 = arith.constant 0 : index
    %get3A_1 = vector.load %arg1[%get3A, %get3A_0] : memref<1000x128xf32, #tpu.memory_space<vmem>>, vector<1000x128xf32>
    %get3A_2 = arith.constant 0 : index
    %get3A_3 = arith.constant 0 : index
    %get3A_4 = vector.load %arg2[%get3A_2, %get3A_3] : memref<1000x128xf32, #tpu.memory_space<vmem>>, vector<1000x128xf32>
    %add3A = arith.addf %get3A_1, %get3A_4 : vector<1000x128xf32>
    %get3A_5 = arith.constant 0 : index
    %get3A_6 = arith.constant 0 : index
    %get3A_7 = vector.load %arg3[%get3A_5, %get3A_6] : memref<1000x128xf32, #tpu.memory_space<vmem>>, vector<1000x128xf32>
    %get3A_8 = arith.constant 0 : index
    %get3A_9 = arith.constant 0 : index
    %get3A_10 = vector.load %arg4[%get3A_8, %get3A_9] : memref<1000x128xf32, #tpu.memory_space<vmem>>, vector<1000x128xf32>
    %add3A_11 = arith.addf %get3A_7, %get3A_10 : vector<1000x128xf32>
    %add3A_12 = arith.addf %add3A, %add3A_11 : vector<1000x128xf32>
    %swap3A = arith.constant 0 : index
    %swap3A_13 = arith.constant 0 : index
    %swap3A_14 = vector.load %arg5[%swap3A, %swap3A_13] : memref<1000x128xf32, #tpu.memory_space<vmem>>, vector<1000x128xf32>
    tpu.vector_store %arg5[%swap3A, %swap3A_13], %add3A_12 {strides = array<i32>} : memref<1000x128xf32, #tpu.memory_space<vmem>>, vector<1000x128xf32>,
    return
  }
  func.func @transform_0(%arg0: i32) -> (i32, i32) {
    %c0_i32 = arith.constant 0 : i32
    %c0_i32_0 = arith.constant 0 : i32
    return %arg0, %c0_i32 : i32, i32
  }
  func.func @transform_1(%arg0: i32) -> (i32, i32) {
    %add3A = arith.constant 10 : i32
    %add3A_0 = arith.addi %arg0, %add3A : i32
    %c0_i32 = arith.constant 0 : i32
    %c0_i32_1 = arith.constant 0 : i32
    return %add3A_0, %c0_i32 : i32, i32
  }
  func.func @transform_2(%arg0: i32) -> (i32, i32) {
    %c0_i32 = arith.constant 0 : i32
    %c0_i32_0 = arith.constant 0 : i32
    return %arg0, %c0_i32 : i32, i32
  }
  func.func @transform_3(%arg0: i32) -> (i32, i32) {
    %add3A = arith.constant 10 : i32
    %add3A_0 = arith.addi %arg0, %add3A : i32
    %c0_i32 = arith.constant 0 : i32
    %c0_i32_1 = arith.constant 0 : i32
    return %add3A_0, %c0_i32 : i32, i32
  }
  func.func @transform_4(%arg0: i32) -> (i32, i32) {
    %c0_i32 = arith.constant 0 : i32
    %c0_i32_0 = arith.constant 0 : i32
    return %arg0, %c0_i32 : i32, i32
  }
}

</mosaic_0001>

<sc_bundles>
// kernel: kernel.12.cloned.1.call-start
scs
__scs_entry_jumppad:
0x0: {  	(pc) =	sbr.rel $0x88, $3  }
0x1: {  	(tag) =	ssettag $0x0;
	lr =	simm.s32 $0x1  }
0x2: {  	[smem:$0x3F9D] =	sst lr;
	_ =	strace $0xD0000000  }
0x3: {  	_ = 	snop  }
0x4: {  	_ = 	snop  }
0x5: {  	_ = 	snop  }
0x6: {  	_ = 	snop  }
0x7: {  	_ = 	snop  }
__scs_overlays_trampoline_lowered:
0x8: {  	[smem:$0x3FAC] =	sst s0  }
0x9: {  	[smem:$0x3FAD] =	sst s1  }
0xa: {  	[smem:$0x3FAE] =	sst s2  }
0xb: {  	[smem:$0x3FAF] =	sst s3  }
0xc: {  	[smem:$0x3FB0] =	sst s4  }
0xd: {  	[smem:$0x3FB1] =	sst s5  }
0xe: {  	[smem:$0x3FB2] =	sst s6  }
0xf: {  	[smem:$0x3FB3] =	sst s7  }
0x10: {  	[smem:$0x3FB4] =	sst s8  }
0x11: {  	[smem:$0x3FB5] =	sst s9;
	s0 =	simm.s32 @!p0 $0x0  }
0x12: {  	s1 =	sld [smem:$0x3F9B];
	s0 =	simm.s32 @p0 $0x1  }
0x13: {  	[smem:$0x3FB6] =	sst s0;
	s0 =	simm.s32 @!p1 $0x0  }
0x14: {  	s2 =	sld [smem:$0x3F9A];
	s0 =	simm.s32 @p1 $0x1  }
0x15: {  	[smem:$0x3FB7] =	sst s0;
	s0 =	simm.s32 @!p2 $0x0  }
0x16: {  	s3 =	sld [smem:$0x3FDB];
	s0 =	simm.s32 @p2 $0x1  }
0x17: {  	s4 =	simm.s32 $0x1BF5;
	[smem:$0x3FB9] =	sst s0  }
0x18: {  	s0 =	sld [smem:$0x3F9C];
	_ =	swait.ge [sflag:s4], $0x0  }
0x19: {  	s7 =	sld [smem:$0x3F9D]  }
0x1a: {  	s8 =	sadd.s32 $0xFFFFE003, lr  }
0x1b: {  	s9 =	sadd.s32 $0xFFFFFEF7, lr;
	s5 =	simm.s32 $0xFFFFFFFF;
	p2 =	slt.u32 s8, $0xFFFFF086  }
0x1c: {  	p1 =	slt.u32 s9, $0xF7A;
	s5 =	simm.s32 @!p2 $0x0  }
0x1d: {  	s5 =	simm.s32 @p1 $0x1;
	p0 =	seq.s32 s7, s2  }
0x1e: {  	s7 =	smul.u32 @!p0 $0xF7A, s2;
	p2 =	seq.s32 @!p0 s5, $0x0  }
0x1f: {  	s9 =	smul.u32 $0xF7A, s1;
	s8 =	simm.s32 @!p0 $0x1BF5;
	p2 =	por !p2, p0  }
0x20: {  	[sflag:s8] =	ssyncset.s32 @!p0 $0xFFFFF086;
	s6 =	sadd.s32 @!p0 s3, s7;
	s7 =	simm.s32 @!p0 $0x108  }
0x21: {  	s3 =	sadd.s32 s3, s9;
	s6 =	sadd.s32 @!p0 $0x88, s6;
	s7 =	simm.s32 @p2 $0x1082  }
0x22: {  	[simem:s7], [sflag:s8] =	dma.local @!p0 [hbm:s6], $0xF7A  }
0x23: {  	s9 =	sor.u32 $0xD0000000, s2;
	s6 =	simm.s32 $0x108;
	_ =	swait.ge @!p0 [sflag:s8], $0x0  }
0x24: {  	s3 =	sadd.s32 $0x88, s3;
	s6 =	simm.s32 @!p1 $0x1082;
	[sflag:s4] =	ssyncset.s32 $0xFFFFF086  }
0x25: {  	[simem:s6], [sflag:s4] =	dma.local [hbm:s3], $0xF7A  }
0x26: {  	[smem:$0x3F9D] =	sst s1;
	(tag) =	ssettag s2;
	_ =	strace s9  }
0x27: {  	s1 =	sld [smem:$0x3FAD]  }
0x28: {  	s2 =	sld [smem:$0x3FAE]  }
0x29: {  	s4 =	sld [smem:$0x3FB0]  }
0x2a: {  	p0 =	seq.s32 s5, $0x0;
	s5 =	sld [smem:$0x3FB1]  }
0x2b: {  	s6 =	sld [smem:$0x3FB2]  }
0x2c: {  	s7 =	sld [smem:$0x3FB3]  }
0x2d: {  	s3 =	simm.s32 $0x108;
	s8 =	sld [smem:$0x3FB4]  }
0x2e: {  	s3 =	simm.s32 @!p0 $0x1082;
	s9 =	sld [smem:$0x3FB5]  }
0x2f: {  	lr =	sadd.s32 s0, s3;
	s0 =	sld [smem:$0x3FAC]  }
0x30: {  	s3 =	sld [smem:$0x3FAF]  }
0x31: {  	[smem:$0x3FB8] =	sst s10  }
0x32: {  	s10 =	sld [smem:$0x3FB6];
	_ =	sdelay $0x3  }
0x33: {  	p0 =	seq.s32 s10, $0x1;
	s10 =	sld [smem:$0x3FB8];
	_ =	sdelay $0x3  }
0x34: {  	[smem:$0x3FB8] =	sst s10  }
0x35: {  	s10 =	sld [smem:$0x3FB7];
	_ =	sdelay $0x3  }
0x36: {  	p1 =	seq.s32 s10, $0x1;
	s10 =	sld [smem:$0x3FB8];
	_ =	sdelay $0x3  }
0x37: {  	[smem:$0x3FB8] =	sst s10  }
0x38: {  	s10 =	sld [smem:$0x3FB9]  }
0x39: {  	_ = 	snop;
	(pc) =	sbr.ind lr, $3  }
0x3a: {  	_ = 	snop  }
0x3b: {  	_ = 	snop  }
0x3c: {  	p2 =	seq.s32 s10, $0x1;
	s10 =	sld [smem:$0x3FB8]  }
0x3d: {  	_ =	shalt  }
0x3e: {  	_ =	shalt  }
0x3f: {  	_ =	shalt  }
0x40: {  	_ =	shalt  }
0x41: {  	_ =	shalt  }
0x42: {  	_ =	shalt  }
0x43: {  	_ =	shalt  }
0x44: {  	_ =	shalt  }
0x45: {  	_ =	shalt  }
0x46: {  	_ =	shalt  }
0x47: {  	_ =	shalt  }
0x48: {  	_ =	shalt  }
0x49: {  	_ =	shalt  }
0x4a: {  	_ =	shalt  }
0x4b: {  	_ =	shalt  }
0x4c: {  	_ =	shalt  }
0x4d: {  	_ =	shalt  }
0x4e: {  	_ =	shalt  }
0x4f: {  	_ =	shalt  }
0x50: {  	_ =	shalt  }
0x51: {  	_ =	shalt  }
0x52: {  	_ =	shalt  }
0x53: {  	_ =	shalt  }
0x54: {  	_ =	shalt  }
0x55: {  	_ =	shalt  }
0x56: {  	_ =	shalt  }
0x57: {  	_ =	shalt  }
0x58: {  	_ =	shalt  }
0x59: {  	_ =	shalt  }
0x5a: {  	_ =	shalt  }
0x5b: {  	_ =	shalt  }
0x5c: {  	_ =	shalt  }
0x5d: {  	_ =	shalt  }
0x5e: {  	_ =	shalt  }
0x5f: {  	_ =	shalt  }
0x60: {  	_ =	shalt  }
0x61: {  	_ =	shalt  }
0x62: {  	_ =	shalt  }
0x63: {  	_ =	shalt  }
0x64: {  	_ =	shalt  }
0x65: {  	_ =	shalt  }
0x66: {  	_ =	shalt  }
0x67: {  	_ =	shalt  }
0x68: {  	_ =	shalt  }
0x69: {  	_ =	shalt  }
0x6a: {  	_ =	shalt  }
0x6b: {  	_ =	shalt  }
0x6c: {  	_ =	shalt  }
0x6d: {  	_ =	shalt  }
0x6e: {  	_ =	shalt  }
0x6f: {  	_ =	shalt  }
0x70: {  	_ =	shalt  }
0x71: {  	_ =	shalt  }
0x72: {  	_ =	shalt  }
0x73: {  	_ =	shalt  }
0x74: {  	_ =	shalt  }
0x75: {  	_ =	shalt  }
0x76: {  	_ =	shalt  }
0x77: {  	_ =	shalt  }
0x78: {  	_ =	shalt  }
0x79: {  	_ =	shalt  }
0x7a: {  	_ =	shalt  }
0x7b: {  	_ =	shalt  }
0x7c: {  	_ =	shalt  }
0x7d: {  	_ =	shalt  }
0x7e: {  	_ =	shalt  }
0x7f: {  	_ =	shalt  }
0x80: {  	_ =	shalt  }
0x81: {  	_ =	shalt  }
0x82: {  	_ =	shalt  }
0x83: {  	_ =	shalt  }
0x84: {  	_ =	shalt  }
0x85: {  	_ =	shalt  }
0x86: {  	_ =	shalt  }
0x87: {  	_ =	shalt  }
.Lfunc_end0:
.L_simem_size_0:
called_computation.1_lowered:
.L_overlay_start_0:
0x88: {  	s2 =	sld [smem:$0x3FD9]  }
0x89: {  	s3 =	sld [smem:$0x3FFE];
	_ =	sdelay $0x1  }
0x8a: {  	s1 =	srdreg.scid  }
0x8b: {  	s0 =	sand.u32 $0x1, s1  }
0x8c: {  	s17 =	sshll.u32 s0, $0xA;
	s2 =	sadd.s32 s3, s2  }
0x8d: {  	s2 =	sadd.s32 s2, s17  }
0x8e: {  	[smem:$0x3FC4] =	sst s2  }
0x8f: {  	_ = 	snop  }
0x90: {  	s18 =	sld [smem:$0x3FC8];
	(tm) =	ssettm $0x1  }
0x91: {  	s19 =	sld [smem:$0x3FFB];
	_ =	sdelay $0x3  }
0x92: {  	_ =	strace s19  }
0x93: {  	s2 =	sld [smem:$0x3FFC];
	_ =	sdelay $0x3  }
0x94: {  	_ =	strace s2  }
0x95: {  	s2 =	sld [smem:$0x3FFD];
	_ =	sdelay $0x3  }
0x96: {  	_ =	strace s2  }
0x97: {  	_ =	strace $0x8FFFFFFF  }
0x98: {  	s20 =	sld [smem:$0x3FDB];
	_ =	sdelay $0x1  }
0x99: {  	s4 =	simm.s32 $_scs_section_size  }
0x9a: {  	s5 =	simm.s32 $_size__tile_overlayer_lowered;
	s6 =	simm.s32 $_tile_overlayer_lowered  }
0x9b: {  	s7 =	simm.s32 $0x1BFF;
	s21 =	sshll.u32 s6, $0x1;
	s4 =	sadd.s32 s4, s20  }
0x9c: {  	s22 =	simm.s32 $0x0;
	s5 =	sshll.u32 s5, $0x1;
	s6 =	sadd.s32 s21, s4  }
0x9d: {  	[timem:s22], [sflag:s7] =	dma.local [hbm:s6], s5  }
0x9e: {  	_ =	swait.ge [sflag:s7], s5  }
0x9f: {  	s5 =	ssub.s32 $0x0, s5;
	[sflag:s7] =	ssyncset.done $0x0  }
0xa0: {  	[sflag:s7] =	ssyncadd.s32 s5;
	_ =	sdelay $0x1  }
0xa1: {  	s23 =	simm.s32 $0x1B8B  }
0xa2: {  	_ =	swait.ge [sflag:s23], $0x1  }
0xa3: {  	[sflag:s23] =	ssyncset.done $0x0  }
0xa4: {  	[sflag:s23] =	ssyncadd.s32 $0xFFFFFFFF  }
0xa5: {  	s5 =	sld [smem:$0x0]  }
0xa6: {  	s6 =	sand.u32 $0xFFFFFFFE, s1  }
0xa7: {  	p0 =	sne.s32 s1, s6  }
0xa8: {  	s6 =	sshll.u32 @p0 s6, $0xE  }
0xa9: {  	s6 =	sadd.s32 @p0 $0x11B8D, s6;
	s7 =	sshll.u32 @p0 s5, $0x11  }
0xaa: {  	s6 =	sor.u32 @p0 s7, s6  }
0xab: {  	[sflag:s6] =	ssyncadd.remote.s32 @p0 $0x1;
	_ =	sdelay $0x1  }
0xac: {  	s6 =	simm.s32 @p0 $0x1B8D  }
0xad: {  	_ =	swait.eq @p0 [sflag:s6], $0x1  }
0xae: {  	[sflag:s6] =	ssyncadd.s32 @p0 $0xFFFFFFFF  }
0xaf: {  	s7 =	sshll.u32 @!p0 s1, $0xE  }
0xb0: {  	s7 =	sor.u32 @!p0 $0x4000, s7;
	s6 =	simm.s32 @!p0 $0x1B8D  }
0xb1: {  	s5 =	sshll.u32 @!p0 s5, $0x11;
	s7 =	sadd.s32 @!p0 $0x11B8D, s7;
	_ =	swait.eq @!p0 [sflag:s6], $0x1  }
0xb2: {  	s5 =	sor.u32 @!p0 s5, s7;
	[sflag:s6] =	ssyncadd.s32 @!p0 $0xFFFFFFFF  }
0xb3: {  	s25 =	simm.s32 $0x1B8E;
	s24 =	sld [smem:$0x3FFE];
	[sflag:s5] =	ssyncadd.remote.s32 @!p0 $0x1  }
0xb4: {  	s26 =	simm.s32 $execute0_lowered;
	[smem:$0x3FD2] =	sst s25  }
0xb5: {  	s6 =	sshll.u32 s26, $0x1;
	_ =	strace $0x80000049;
	[dreg:$0x1] =	wrdreg $0xFFFFFFFF  }
0xb6: {  	s28 =	simm.s32 $_size_execute0_lowered;
	s4 =	sadd.s32 s4, s6;
	[dreg:$0x0] =	wrdreg $0x0  }
0xb7: {  	s6 =	sshll.u32 s28, $0x1;
	[dreg:$0x2] =	wrdreg s4  }
0xb8: {  	[dreg:$0x3] =	wrdreg s6  }
0xb9: {  	[dreg:$0x4] =	wrdreg $0xC0  }
0xba: {  	_ =	task [dreg:s22], $0x5FFFF  }
0xbb: {  	[dreg:$0x1] =	wrdreg $0xFFFFFFFF  }
0xbc: {  	[dreg:$0x0] =	wrdreg $0x60  }
0xbd: {  	[dreg:$0x2] =	wrdreg s18  }
0xbe: {  	[dreg:$0x3] =	wrdreg s24  }
0xbf: {  	[dreg:$0x4] =	wrdreg $0x9  }
0xc0: {  	_ =	task.clear_ibuf [dreg:s22], $0x5FFFF;
	_ =	strace $0x90000049  }
0xc1: {  	s29 =	simm.s32 $0x9;
	_ =	strace $0x8000004B  }
0xc2: {  	_ =	swait.ge [sflag:s29], $0x1  }
0xc3: {  	[sflag:s29] =	ssyncadd.s32 $0xFFFFFFFF  }
0xc4: {  	_ =	strace $0x9000004B  }
0xc5: {  	_ =	sfence  }
0xc6: {  	s30 =	sld [smem:$0x0];
	_ =	sdelay $0x2  }
0xc7: {  	s31 =	sshll.u32 s1, $0xD;
	s1 =	sshrl.u32 s1, $0x2  }
0xc8: {  	s4 =	sand.u32 $0x4000, s31;
	s1 =	sadd.s32 s1, s30  }
0xc9: {  	s0 =	sor.u32 s4, s0;
	s1 =	sshll.u32 s1, $0x11  }
0xca: {  	s0 =	sor.u32 s1, s0  }
0xcb: {  	s0 =	sadd.s32 $0x8F2B, s0  }
0xcc: {  	[sflag:s0] =	ssyncadd.remote.s32 $0x1  }
0xcd: {  	_ =	sfence.sel $0xFFFF  }
0xce: {  	[dreg:$0x0] =	wrdreg $0xFFFFFFFF;
	(pc) =	sbr.abs _section_cstart, $3  }
0xcf: {  	[dreg:$0x1] =	wrdreg $0xFFFFFFFF  }
0xd0: {  	_ =	task.clear_ibuf [dreg:s22], $0x2FFFF;
	_ =	strace $0x9FFFFFFF  }
0xd1: {  	(tm) =	ssettm $0x7FFFFFFF  }
tec
execute0_lowered:
.L_overlay_start_1:
0x0: {  	(tag) =	ssettag $0x1  }
0x1: {  	s1 =	srdreg.scid  }
0x2: {  	s0 =	stileid.u32;
	s2 =	rddreg [dreg:$0x0]  }
0x3: {  	s5 =	rddreg [dreg:$0x1];
	s3 =	simm.s32 $0x0;
	s13 =	simm.s32 $0x980  }
0x4: {  	s14 =	simm.s32 $0x4A00;
	s15 =	simm.s32 $0x0;
	s4 =	sand.u32 $0x1, s1  }
0x5: {  	s29 =	sshll.u32 s0, $0x1;
	s1 =	rddreg [dreg:$0x2];
	s9 =	smul.u32 $0x98800, s0  }
0x6: {  	[smem:$0x7FF] =	sst s3;
	s6 =	sor.u32 s4, s29;
	s11 =	smul.u32 $0x4C400, s4  }
0x7: {  	s12 =	sadd.s32 $0x146A00, s5;
	s8 =	ssub.s32 $0x2, s4;
	s7 =	smul.u32 $0x131, s6  }
0x8: {  	_ =	strace $0x8000004A;
	s6 =	smul.u32 $0x4C400, s6;
	s10 =	sshrl.u32 s8, $0x1  }
0x9: {  	s8 =	ssub.s32 s8, s10;
	s31 =	sadd.s32 s11, s9;
	s9 =	simm.s32 $0x80  }
0xa: {  	s10 =	simm.s32 $0xA00;
	s11 =	simm.s32 $0x1;
	s7 =	sadd.s32 s7, s5  }
0xb: {  	s30 =	sshrl.u32 s6, $0x3;
	s6 =	smax.u32 s8, $0x1;
	s8 =	simm.s32 $0x2  }
0xc: {  	s4 =	sadd.s32 $0x144200, s7;
	s5 =	sadd.s32 s12, s30;
	s7 =	sshrl.u32 s31, $0x3  }
0xd: {  	s5 =	sadd.s32 $0x9800, s5;
	s7 =	sadd.s32 s7, s12;
	s12 =	simm.s32 $0x8  }
.LBB2_1:
0xe: {  	[tilespmem:s3], [sflag:$0x2] =	stream.linear.gather [hbm4b:s4+s3], $0x988, $0x38;
	[tilespmem:$0x4E00] =	vst v63  }
0xf: {  	_ =	swait.ge [sflag:s8], $0x988  }
0x10: {  	[sflag:s8] =	ssyncset.done $0x0  }
0x11: {  	s16 =	simm.s32 $0x0;
	[sflag:s8] =	ssyncadd.s32 $0xFFFFF678  }
0x12: {  	[tilespmem:s10], [sflag:$0x1] =	stream.indirect.gather [hbm4b:s2+s9], $0x80, s16, s9, $0xb8;
	[tilespmem:$0x4E00] =	vst v63  }
0x13: {  	_ =	swait.ge [sflag:s11], $0x4000  }
0x14: {  	[sflag:s11] =	ssyncset.done $0x0  }
0x15: {  	[sflag:s11] =	ssyncadd.s32 $0xFFFFC000  }
0x16: {  	[hbm4b:s7+s3] =	stream.linear.scatter [tilespmem:s10], [sflag:$0x2], $0x4000, $0x38;
	[tilespmem:$0x4E00] =	vst v63  }
0x17: {  	s17 =	simm.s32 $0x200;
	_ =	swait.ge [sflag:s8], $0x4000  }
0x18: {  	s18 =	simm.s32 $0x400;
	s16 =	sadd.s32 $0x800, s7;
	[sflag:s8] =	ssyncset.done $0x0  }
.LBB2_2:
0x19: {  	s19 =	sshra.s32 s17, $0x2  }
0x1a: {  	[sflag:s8] =	ssyncadd.s32 $0xFFFFC000;
	s17 =	smov.u32 s18;
	s20 =	sadd.s32 $0x200, s18  }
0x1b: {  	[tilespmem:s10], [sflag:$0x1] =	stream.indirect.gather [hbm4b:s2+s9], $0x80, s19, s9, $0xb8;
	[tilespmem:$0x4E00] =	vst v63  }
0x1c: {  	p0 =	sne.s32 s18, $0x2400;
	_ =	swait.ge [sflag:s11], $0x4000  }
.Ltmp0:
0x1d: {  	[sflag:s11] =	ssyncset.done $0x0;
	(pc) =	sbr.rel @p0 .LBB2_2-.Ltmp0, $4  }
0x1e: {  	[sflag:s11] =	ssyncadd.s32 $0xFFFFC000  }
0x1f: {  	[hbm4b:s16+s3] =	stream.linear.scatter [tilespmem:s10], [sflag:$0x2], $0x4000, $0x38;
	[tilespmem:$0x4E00] =	vst v63  }
0x20: {  	_ =	swait.ge [sflag:s8], $0x4000  }
0x21: {  	s18 =	smov.u32 s20;
	s16 =	sadd.s32 $0x800, s16;
	[sflag:s8] =	ssyncset.done $0x0  }
0x22: {  	s17 =	sshra.s32 s17, $0x2;
	[sflag:s8] =	ssyncadd.s32 $0xFFFFC000  }
0x23: {  	[tilespmem:s10], [sflag:$0x1] =	stream.indirect.gather [hbm4b:s2+s9], $0x80, s17, s9, $0xb8;
	[tilespmem:$0x4E00] =	vst v63  }
0x24: {  	_ =	swait.ge [sflag:s11], $0x4000  }
0x25: {  	[sflag:s11] =	ssyncset.done $0x0  }
0x26: {  	[sflag:s11] =	ssyncadd.s32 $0xFFFFC000  }
0x27: {  	[hbm4b:s16+s3] =	stream.linear.scatter [tilespmem:s10], [sflag:$0x2], $0x4000, $0x38;
	[tilespmem:$0x4E00] =	vst v63  }
0x28: {  	_ =	swait.ge [sflag:s8], $0x4000  }
0x29: {  	[sflag:s8] =	ssyncset.done $0x0  }
0x2a: {  	[sflag:s8] =	ssyncadd.s32 $0xFFFFC000  }
0x2b: {  	[tilespmem:s14], [sflag:$0x1] =	stream.indirect.gather [hbm4b:s2+s12], $0x80, s13, s12, $0xb8;
	[tilespmem:$0x4E00] =	vst v63  }
0x2c: {  	s15 =	sadd.s32 $0x1, s15;
	_ =	swait.ge [sflag:s11], $0x400  }
0x2d: {  	p0 =	sne.s32 s15, s6;
	[sflag:s11] =	ssyncset.done $0x0  }
.Ltmp1:
0x2e: {  	[sflag:s11] =	ssyncadd.s32 $0xFFFFFC00;
	(pc) =	sbr.rel @p0 .LBB2_1-.Ltmp1, $4  }
0x2f: {  	[hbm4b:s5+s3] =	stream.linear.scatter [tilespmem:s14], [sflag:$0x2], $0x400, $0x38;
	[tilespmem:$0x4E00] =	vst v63  }
0x30: {  	_ =	swait.ge [sflag:s8], $0x400  }
0x31: {  	[sflag:s8] =	ssyncset.done $0x0  }
0x32: {  	[sflag:s8] =	ssyncadd.s32 $0xFFFFFC00  }
0x33: {  	_ =	sfence.sel $0x180000  }
0x34: {  	[bflag:$0x0] =	sbarrier.arrive $0xFFFF  }
0x35: {  	p0 =	sne.s32 s0, $0x0;
	_ =	strace $0x9000004A  }
0x36: {  	s0 =	sadd.s32 @!p0 $0x100000, s1;
	[bflag:$0x2] =	sbarrier.arrive $0xFFFF  }
0x37: {  	[sflag:s0] =	ssyncadd.tile.s32 @!p0 $0x1;
	_ =	shalt  }
.Lfunc_end2:
_tile_overlayer_lowered:
.L_overlay_start_2:
0x38: {  	(tag) =	ssettag $0x2  }
0x39: {  	s0 =	rddreg [dreg:$0x0];
	s2 =	stileid.u32  }
0x3a: {  	s1 =	rddreg [dreg:$0x1];
	p0 =	sne.s32 s2, $0x0  }
0x3b: {  	s3 =	rddreg [dreg:$0x2];
	[bflag:$0x3] =	sbarrier.arrive $0xFFFF;
	s2 =	simm.s32 @!p0 $0x1C02  }
0x3c: {  	[timem:s3], [sflag:s2] =	dma.local @!p0 [hbm:s0], s1  }
0x3d: {  	s0 =	simm.s32 @!p0 $0x2  }
0x3e: {  	_ =	swait.ge @!p0 [sflag:s0], s1  }
0x3f: {  	s1 =	ssub.s32 @!p0 $0x0, s1;
	[sflag:s0] =	ssyncset.done @!p0 $0x0  }
0x40: {  	[sflag:s0] =	ssyncadd.s32 @!p0 s1  }
0x41: {  	[bflag:$0x3] =	sbarrier.arrive $0xFFFF  }
0x42: {  	_ =	shalt  }

// kernel: kernel.15.cloned.1.call-start
scs
__scs_entry_jumppad:
0x0: {  	(pc) =	sbr.rel $0x88, $3  }
0x1: {  	(tag) =	ssettag $0x0;
	lr =	simm.s32 $0x1  }
0x2: {  	[smem:$0x3F9D] =	sst lr;
	_ =	strace $0xD0000000  }
0x3: {  	_ = 	snop  }
0x4: {  	_ = 	snop  }
0x5: {  	_ = 	snop  }
0x6: {  	_ = 	snop  }
0x7: {  	_ = 	snop  }
__scs_overlays_trampoline_lowered:
0x8: {  	[smem:$0x3FAC] =	sst s0  }
0x9: {  	[smem:$0x3FAD] =	sst s1  }
0xa: {  	[smem:$0x3FAE] =	sst s2  }
0xb: {  	[smem:$0x3FAF] =	sst s3  }
0xc: {  	[smem:$0x3FB0] =	sst s4  }
0xd: {  	[smem:$0x3FB1] =	sst s5  }
0xe: {  	[smem:$0x3FB2] =	sst s6  }
0xf: {  	[smem:$0x3FB3] =	sst s7  }
0x10: {  	[smem:$0x3FB4] =	sst s8  }
0x11: {  	[smem:$0x3FB5] =	sst s9;
	s0 =	simm.s32 @!p0 $0x0  }
0x12: {  	s1 =	sld [smem:$0x3F9B];
	s0 =	simm.s32 @p0 $0x1  }
0x13: {  	[smem:$0x3FB6] =	sst s0;
	s0 =	simm.s32 @!p1 $0x0  }
0x14: {  	s2 =	sld [smem:$0x3F9A];
	s0 =	simm.s32 @p1 $0x1  }
0x15: {  	[smem:$0x3FB7] =	sst s0;
	s0 =	simm.s32 @!p2 $0x0  }
0x16: {  	s3 =	sld [smem:$0x3FDB];
	s0 =	simm.s32 @p2 $0x1  }
0x17: {  	s4 =	simm.s32 $0x1BF5;
	[smem:$0x3FB9] =	sst s0  }
0x18: {  	s0 =	sld [smem:$0x3F9C];
	_ =	swait.ge [sflag:s4], $0x0  }
0x19: {  	s7 =	sld [smem:$0x3F9D]  }
0x1a: {  	s8 =	sadd.s32 $0xFFFFE003, lr  }
0x1b: {  	s9 =	sadd.s32 $0xFFFFFEF7, lr;
	s5 =	simm.s32 $0xFFFFFFFF;
	p2 =	slt.u32 s8, $0xFFFFF086  }
0x1c: {  	p1 =	slt.u32 s9, $0xF7A;
	s5 =	simm.s32 @!p2 $0x0  }
0x1d: {  	s5 =	simm.s32 @p1 $0x1;
	p0 =	seq.s32 s7, s2  }
0x1e: {  	s7 =	smul.u32 @!p0 $0xF7A, s2;
	p2 =	seq.s32 @!p0 s5, $0x0  }
0x1f: {  	s9 =	smul.u32 $0xF7A, s1;
	s8 =	simm.s32 @!p0 $0x1BF5;
	p2 =	por !p2, p0  }
0x20: {  	[sflag:s8] =	ssyncset.s32 @!p0 $0xFFFFF086;
	s6 =	sadd.s32 @!p0 s3, s7;
	s7 =	simm.s32 @!p0 $0x108  }
0x21: {  	s3 =	sadd.s32 s3, s9;
	s6 =	sadd.s32 @!p0 $0x88, s6;
	s7 =	simm.s32 @p2 $0x1082  }
0x22: {  	[simem:s7], [sflag:s8] =	dma.local @!p0 [hbm:s6], $0xF7A  }
0x23: {  	s9 =	sor.u32 $0xD0000000, s2;
	s6 =	simm.s32 $0x108;
	_ =	swait.ge @!p0 [sflag:s8], $0x0  }
0x24: {  	s3 =	sadd.s32 $0x88, s3;
	s6 =	simm.s32 @!p1 $0x1082;
	[sflag:s4] =	ssyncset.s32 $0xFFFFF086  }
0x25: {  	[simem:s6], [sflag:s4] =	dma.local [hbm:s3], $0xF7A  }
0x26: {  	[smem:$0x3F9D] =	sst s1;
	(tag) =	ssettag s2;
	_ =	strace s9  }
0x27: {  	s1 =	sld [smem:$0x3FAD]  }
0x28: {  	s2 =	sld [smem:$0x3FAE]  }
0x29: {  	s4 =	sld [smem:$0x3FB0]  }
0x2a: {  	p0 =	seq.s32 s5, $0x0;
	s5 =	sld [smem:$0x3FB1]  }
0x2b: {  	s6 =	sld [smem:$0x3FB2]  }
0x2c: {  	s7 =	sld [smem:$0x3FB3]  }
0x2d: {  	s3 =	simm.s32 $0x108;
	s8 =	sld [smem:$0x3FB4]  }
0x2e: {  	s3 =	simm.s32 @!p0 $0x1082;
	s9 =	sld [smem:$0x3FB5]  }
0x2f: {  	lr =	sadd.s32 s0, s3;
	s0 =	sld [smem:$0x3FAC]  }
0x30: {  	s3 =	sld [smem:$0x3FAF]  }
0x31: {  	[smem:$0x3FB8] =	sst s10  }
0x32: {  	s10 =	sld [smem:$0x3FB6];
	_ =	sdelay $0x3  }
0x33: {  	p0 =	seq.s32 s10, $0x1;
	s10 =	sld [smem:$0x3FB8];
	_ =	sdelay $0x3  }
0x34: {  	[smem:$0x3FB8] =	sst s10  }
0x35: {  	s10 =	sld [smem:$0x3FB7];
	_ =	sdelay $0x3  }
0x36: {  	p1 =	seq.s32 s10, $0x1;
	s10 =	sld [smem:$0x3FB8];
	_ =	sdelay $0x3  }
0x37: {  	[smem:$0x3FB8] =	sst s10  }
0x38: {  	s10 =	sld [smem:$0x3FB9]  }
0x39: {  	_ = 	snop;
	(pc) =	sbr.ind lr, $3  }
0x3a: {  	_ = 	snop  }
0x3b: {  	_ = 	snop  }
0x3c: {  	p2 =	seq.s32 s10, $0x1;
	s10 =	sld [smem:$0x3FB8]  }
0x3d: {  	_ =	shalt  }
0x3e: {  	_ =	shalt  }
0x3f: {  	_ =	shalt  }
0x40: {  	_ =	shalt  }
0x41: {  	_ =	shalt  }
0x42: {  	_ =	shalt  }
0x43: {  	_ =	shalt  }
0x44: {  	_ =	shalt  }
0x45: {  	_ =	shalt  }
0x46: {  	_ =	shalt  }
0x47: {  	_ =	shalt  }
0x48: {  	_ =	shalt  }
0x49: {  	_ =	shalt  }
0x4a: {  	_ =	shalt  }
0x4b: {  	_ =	shalt  }
0x4c: {  	_ =	shalt  }
0x4d: {  	_ =	shalt  }
0x4e: {  	_ =	shalt  }
0x4f: {  	_ =	shalt  }
0x50: {  	_ =	shalt  }
0x51: {  	_ =	shalt  }
0x52: {  	_ =	shalt  }
0x53: {  	_ =	shalt  }
0x54: {  	_ =	shalt  }
0x55: {  	_ =	shalt  }
0x56: {  	_ =	shalt  }
0x57: {  	_ =	shalt  }
0x58: {  	_ =	shalt  }
0x59: {  	_ =	shalt  }
0x5a: {  	_ =	shalt  }
0x5b: {  	_ =	shalt  }
0x5c: {  	_ =	shalt  }
0x5d: {  	_ =	shalt  }
0x5e: {  	_ =	shalt  }
0x5f: {  	_ =	shalt  }
0x60: {  	_ =	shalt  }
0x61: {  	_ =	shalt  }
0x62: {  	_ =	shalt  }
0x63: {  	_ =	shalt  }
0x64: {  	_ =	shalt  }
0x65: {  	_ =	shalt  }
0x66: {  	_ =	shalt  }
0x67: {  	_ =	shalt  }
0x68: {  	_ =	shalt  }
0x69: {  	_ =	shalt  }
0x6a: {  	_ =	shalt  }
0x6b: {  	_ =	shalt  }
0x6c: {  	_ =	shalt  }
0x6d: {  	_ =	shalt  }
0x6e: {  	_ =	shalt  }
0x6f: {  	_ =	shalt  }
0x70: {  	_ =	shalt  }
0x71: {  	_ =	shalt  }
0x72: {  	_ =	shalt  }
0x73: {  	_ =	shalt  }
0x74: {  	_ =	shalt  }
0x75: {  	_ =	shalt  }
0x76: {  	_ =	shalt  }
0x77: {  	_ =	shalt  }
0x78: {  	_ =	shalt  }
0x79: {  	_ =	shalt  }
0x7a: {  	_ =	shalt  }
0x7b: {  	_ =	shalt  }
0x7c: {  	_ =	shalt  }
0x7d: {  	_ =	shalt  }
0x7e: {  	_ =	shalt  }
0x7f: {  	_ =	shalt  }
0x80: {  	_ =	shalt  }
0x81: {  	_ =	shalt  }
0x82: {  	_ =	shalt  }
0x83: {  	_ =	shalt  }
0x84: {  	_ =	shalt  }
0x85: {  	_ =	shalt  }
0x86: {  	_ =	shalt  }
0x87: {  	_ =	shalt  }
.Lfunc_end0:
.L_simem_size_0:
called_computation.2_lowered:
.L_overlay_start_0:
0x88: {  	s2 =	sld [smem:$0x3FD9]  }
0x89: {  	s3 =	sld [smem:$0x3FFE];
	_ =	sdelay $0x1  }
0x8a: {  	s1 =	srdreg.scid  }
0x8b: {  	s0 =	sand.u32 $0x1, s1  }
0x8c: {  	s17 =	sshll.u32 s0, $0xA;
	s2 =	sadd.s32 s3, s2  }
0x8d: {  	s2 =	sadd.s32 s2, s17  }
0x8e: {  	[smem:$0x3FC4] =	sst s2  }
0x8f: {  	_ = 	snop  }
0x90: {  	s18 =	sld [smem:$0x3FD0];
	(tm) =	ssettm $0x1  }
0x91: {  	s19 =	sld [smem:$0x3FFB];
	_ =	sdelay $0x3  }
0x92: {  	_ =	strace s19  }
0x93: {  	s2 =	sld [smem:$0x3FFC];
	_ =	sdelay $0x3  }
0x94: {  	_ =	strace s2  }
0x95: {  	s2 =	sld [smem:$0x3FFD];
	_ =	sdelay $0x3  }
0x96: {  	_ =	strace s2  }
0x97: {  	_ =	strace $0x8FFFFFFF  }
0x98: {  	s20 =	sld [smem:$0x3FDB];
	_ =	sdelay $0x1  }
0x99: {  	s4 =	simm.s32 $_scs_section_size  }
0x9a: {  	s5 =	simm.s32 $_size__tile_overlayer_lowered;
	s6 =	simm.s32 $_tile_overlayer_lowered  }
0x9b: {  	s7 =	simm.s32 $0x1BFF;
	s21 =	sshll.u32 s6, $0x1;
	s4 =	sadd.s32 s4, s20  }
0x9c: {  	s22 =	simm.s32 $0x0;
	s5 =	sshll.u32 s5, $0x1;
	s6 =	sadd.s32 s21, s4  }
0x9d: {  	[timem:s22], [sflag:s7] =	dma.local [hbm:s6], s5  }
0x9e: {  	_ =	swait.ge [sflag:s7], s5  }
0x9f: {  	s5 =	ssub.s32 $0x0, s5;
	[sflag:s7] =	ssyncset.done $0x0  }
0xa0: {  	[sflag:s7] =	ssyncadd.s32 s5;
	_ =	sdelay $0x1  }
0xa1: {  	s23 =	simm.s32 $0x1B8B  }
0xa2: {  	_ =	swait.ge [sflag:s23], $0x1  }
0xa3: {  	[sflag:s23] =	ssyncset.done $0x0  }
0xa4: {  	[sflag:s23] =	ssyncadd.s32 $0xFFFFFFFF  }
0xa5: {  	s5 =	sld [smem:$0x0]  }
0xa6: {  	s6 =	sand.u32 $0xFFFFFFFE, s1  }
0xa7: {  	p0 =	sne.s32 s1, s6  }
0xa8: {  	s6 =	sshll.u32 @p0 s6, $0xE  }
0xa9: {  	s6 =	sadd.s32 @p0 $0x11B8D, s6;
	s7 =	sshll.u32 @p0 s5, $0x11  }
0xaa: {  	s6 =	sor.u32 @p0 s7, s6  }
0xab: {  	[sflag:s6] =	ssyncadd.remote.s32 @p0 $0x1;
	_ =	sdelay $0x1  }
0xac: {  	s6 =	simm.s32 @p0 $0x1B8D  }
0xad: {  	_ =	swait.eq @p0 [sflag:s6], $0x1  }
0xae: {  	[sflag:s6] =	ssyncadd.s32 @p0 $0xFFFFFFFF  }
0xaf: {  	s7 =	sshll.u32 @!p0 s1, $0xE  }
0xb0: {  	s7 =	sor.u32 @!p0 $0x4000, s7;
	s6 =	simm.s32 @!p0 $0x1B8D  }
0xb1: {  	s5 =	sshll.u32 @!p0 s5, $0x11;
	s7 =	sadd.s32 @!p0 $0x11B8D, s7;
	_ =	swait.eq @!p0 [sflag:s6], $0x1  }
0xb2: {  	s5 =	sor.u32 @!p0 s5, s7;
	[sflag:s6] =	ssyncadd.s32 @!p0 $0xFFFFFFFF  }
0xb3: {  	s25 =	simm.s32 $0x1B8E;
	s24 =	sld [smem:$0x3FFE];
	[sflag:s5] =	ssyncadd.remote.s32 @!p0 $0x1  }
0xb4: {  	s26 =	simm.s32 $execute0_lowered;
	[smem:$0x3FD2] =	sst s25  }
0xb5: {  	s6 =	sshll.u32 s26, $0x1;
	_ =	strace $0x8000004C;
	[dreg:$0x1] =	wrdreg $0xFFFFFFFF  }
0xb6: {  	s28 =	simm.s32 $_size_execute0_lowered;
	s4 =	sadd.s32 s4, s6;
	[dreg:$0x0] =	wrdreg $0x0  }
0xb7: {  	s6 =	sshll.u32 s28, $0x1;
	[dreg:$0x2] =	wrdreg s4  }
0xb8: {  	[dreg:$0x3] =	wrdreg s6  }
0xb9: {  	[dreg:$0x4] =	wrdreg $0xC0  }
0xba: {  	_ =	task [dreg:s22], $0x5FFFF  }
0xbb: {  	[dreg:$0x1] =	wrdreg $0xFFFFFFFF  }
0xbc: {  	[dreg:$0x0] =	wrdreg $0x60  }
0xbd: {  	[dreg:$0x2] =	wrdreg s24  }
0xbe: {  	[dreg:$0x3] =	wrdreg s18  }
0xbf: {  	[dreg:$0x4] =	wrdreg $0x40800  }
0xc0: {  	[dreg:$0x5] =	wrdreg $0xA  }
0xc1: {  	_ =	task.clear_ibuf [dreg:s22], $0x6FFFF;
	_ =	strace $0x9000004C  }
0xc2: {  	s29 =	simm.s32 $0xA;
	_ =	strace $0x8000004E  }
0xc3: {  	_ =	swait.ge [sflag:s29], $0x1  }
0xc4: {  	[sflag:s29] =	ssyncadd.s32 $0xFFFFFFFF  }
0xc5: {  	_ =	strace $0x9000004E  }
0xc6: {  	_ =	sfence  }
0xc7: {  	s30 =	sld [smem:$0x0];
	_ =	sdelay $0x2  }
0xc8: {  	s31 =	sshll.u32 s1, $0xD;
	s1 =	sshrl.u32 s1, $0x2  }
0xc9: {  	s4 =	sand.u32 $0x4000, s31;
	s1 =	sadd.s32 s1, s30  }
0xca: {  	s0 =	sor.u32 s4, s0;
	s1 =	sshll.u32 s1, $0x11  }
0xcb: {  	s0 =	sor.u32 s1, s0  }
0xcc: {  	s0 =	sadd.s32 $0x8F2B, s0  }
0xcd: {  	[sflag:s0] =	ssyncadd.remote.s32 $0x1  }
0xce: {  	_ =	sfence.sel $0xFFFF  }
0xcf: {  	[dreg:$0x0] =	wrdreg $0xFFFFFFFF;
	(pc) =	sbr.abs _section_cstart, $3  }
0xd0: {  	[dreg:$0x1] =	wrdreg $0xFFFFFFFF  }
0xd1: {  	_ =	task.clear_ibuf [dreg:s22], $0x2FFFF;
	_ =	strace $0x9FFFFFFF  }
0xd2: {  	(tm) =	ssettm $0x7FFFFFFF  }
0xd3: {  	_ =	shalt  }
tec
execute0_lowered:
.L_overlay_start_1:
0x0: {  	(tag) =	ssettag $0x1  }
0x1: {  	s4 =	rddreg [dreg:$0x0];
	s0 =	stileid.u32  }
0x2: {  	s6 =	rddreg [dreg:$0x1];
	s5 =	smul.u32 $0x14000, s0  }
0x3: {  	s1 =	srdreg.scid;
	s8 =	smul.u32 $0x1400, s0  }
0x4: {  	s2 =	rddreg [dreg:$0x2];
	s3 =	simm.s32 $0x0;
	s23 =	smul.u32 $0x4E000, s0  }
0x5: {  	s7 =	sand.u32 $0x1, s1;
	s1 =	rddreg [dreg:$0x3];
	s25 =	smul.u32 $0x2700, s0  }
0x6: {  	[smem:$0x7FF] =	sst s3;
	s12 =	sadd.s32 $0x4200, s4;
	s9 =	smul.u32 $0xA00, s7  }
0x7: {  	s28 =	sshll.u32 s0, $0x6;
	s16 =	sadd.s32 $0x138000, s2;
	s29 =	smul.u32 $0x138800, s7  }
0x8: {  	p0 =	sne.s32 s0, $0xF;
	_ =	strace $0x8000004D;
	s15 =	smul.u32 $0x27100, s7  }
0x9: {  	s22 =	ssub.s32 $0x2, s7;
	s17 =	smul.u32 $0xA000, s7;
	s10 =	sadd.s32 s5, s4  }
0xa: {  	s24 =	sshrl.u32 s22, $0x1;
	s26 =	sshrl.u32 s23, $0x2;
	s21 =	sadd.s32 s9, s8  }
0xb: {  	s13 =	ssub.s32 s22, s24;
	s14 =	sadd.s32 s26, s2;
	s9 =	sshrl.u32 s29, $0x3  }
0xc: {  	s30 =	sadd.s32 s25, s15;
	s10 =	sadd.s32 s17, s10;
	s15 =	simm.s32 $0x80  }
0xd: {  	s5 =	sshrl.u32 s21, $0x3;
	s31 =	sadd.s32 s12, s9;
	s7 =	sadd.s32 s12, s30  }
0xe: {  	s9 =	smax.u32 s13, $0x1;
	s10 =	sadd.s32 $0x277A00, s10;
	s12 =	sshrl.u32 s14, $0x3  }
0xf: {  	s13 =	simm.s32 $0x1;
	s14 =	sshrl.u32 @!p0 s16, $0x3;
	s16 =	simm.s32 $0x0  }
0x10: {  	s11 =	sadd.s32 s5, s4;
	s4 =	sadd.s32 s6, s25;
	s5 =	sor.u32 $0x1C01, s28  }
0x11: {  	s6 =	sadd.s32 $0x27000, s6;
	s8 =	sadd.s32 $0x27000, s31;
	s11 =	sadd.s32 $0x1A00, s11  }
.LBB2_1:
0x12: {  	[spmem:s12], [sflag:s5] =	dma.local [hbm:s4], $0x2700  }
0x13: {  	_ =	swait.ge [sflag:s13], $0x2700  }
0x14: {  	[sflag:s13] =	ssyncset.done $0x0  }
0x15: {  	s17 =	simm.s32 @!p0 $0x1;
	[sflag:s13] =	ssyncadd.s32 $0xFFFFD900  }
0x16: {  	[spmem:s14], [sflag:s5] =	dma.local @!p0 [hbm:s6], $0x100  }
0x17: {  	_ =	swait.ge @!p0 [sflag:s17], $0x100  }
0x18: {  	[sflag:s17] =	ssyncset.done @!p0 $0x0  }
0x19: {  	[sflag:s17] =	ssyncadd.s32 @!p0 $0xFFFFFF00  }
0x1a: {  	s31 =	sadd.s32 $0x0, s11;
	[bflag:$0x0] =	sbarrier.arrive $0xFFFF  }
0x1b: {  	[tilespmem:s3], [sflag:$0x1] =	stream.linear.gather [hbm4b:s31+s3], $0x80, $0x38;
	[tilespmem:$0x17900] =	vst v63  }
0x1c: {  	_ =	swait.ge [sflag:s13], $0x80  }
0x1d: {  	[sflag:s13] =	ssyncset.done $0x0  }
0x1e: {  	[sflag:s13] =	ssyncadd.s32 $0xFFFFFF80  }
0x1f: {  	[tilespmem:s15], [sflag:$0x1] =	stream.linear.gather [hbm4b:s10+s3], $0x4000, $0x38;
	[tilespmem:$0x17900] =	vst v63  }
0x20: {  	_ =	swait.ge [sflag:s13], $0x4000  }
0x21: {  	[sflag:s13] =	ssyncset.done $0x0  }
0x22: {  	[sflag:s13] =	ssyncadd.s32 $0xFFFFC000  }
0x23: {  	[spmem:s2] =	stream.indirect.scatter.add.f32 [tilespmem:s15], [sflag:$0x1], $0x80, s3, s15, $0xb8;
	[tilespmem:$0x17900] =	vst v63  }
0x24: {  	s18 =	simm.s32 $0x10;
	_ =	swait.ge [sflag:s13], $0x4000  }
0x25: {  	s19 =	simm.s32 $0x20;
	s17 =	sadd.s32 $0x800, s10;
	[sflag:s13] =	ssyncset.done $0x0  }
.LBB2_2:
0x26: {  	s20 =	sadd.s32 s18, s11  }
0x27: {  	[sflag:s13] =	ssyncadd.s32 $0xFFFFC000;
	s18 =	smov.u32 s19;
	s21 =	sadd.s32 $0x10, s19  }
0x28: {  	[tilespmem:s3], [sflag:$0x1] =	stream.linear.gather [hbm4b:s20+s3], $0x80, $0x38;
	[tilespmem:$0x17900] =	vst v63  }
0x29: {  	p1 =	sne.s32 s19, $0x130;
	_ =	swait.ge [sflag:s13], $0x80  }
0x2a: {  	[sflag:s13] =	ssyncset.done $0x0  }
0x2b: {  	[sflag:s13] =	ssyncadd.s32 $0xFFFFFF80  }
0x2c: {  	[tilespmem:s15], [sflag:$0x1] =	stream.linear.gather [hbm4b:s17+s3], $0x4000, $0x38;
	[tilespmem:$0x17900] =	vst v63  }
0x2d: {  	_ =	swait.ge [sflag:s13], $0x4000  }
.Ltmp0:
0x2e: {  	[sflag:s13] =	ssyncset.done $0x0;
	(pc) =	sbr.rel @p1 .LBB2_2-.Ltmp0, $4  }
0x2f: {  	[sflag:s13] =	ssyncadd.s32 $0xFFFFC000  }
0x30: {  	[spmem:s2] =	stream.indirect.scatter.add.f32 [tilespmem:s15], [sflag:$0x1], $0x80, s3, s15, $0xb8;
	[tilespmem:$0x17900] =	vst v63  }
0x31: {  	_ =	swait.ge [sflag:s13], $0x4000  }
0x32: {  	s19 =	smov.u32 s21;
	s17 =	sadd.s32 $0x800, s17;
	[sflag:s13] =	ssyncset.done $0x0  }
0x33: {  	s18 =	sadd.s32 s18, s11;
	[sflag:s13] =	ssyncadd.s32 $0xFFFFC000  }
0x34: {  	[tilespmem:s3], [sflag:$0x1] =	stream.linear.gather [hbm4b:s18+s3], $0x80, $0x38;
	[tilespmem:$0x17900] =	vst v63  }
0x35: {  	_ =	swait.ge [sflag:s13], $0x80  }
0x36: {  	[sflag:s13] =	ssyncset.done $0x0  }
0x37: {  	[sflag:s13] =	ssyncadd.s32 $0xFFFFFF80  }
0x38: {  	[tilespmem:s15], [sflag:$0x1] =	stream.linear.gather [hbm4b:s17+s3], $0x4000, $0x38;
	[tilespmem:$0x17900] =	vst v63  }
0x39: {  	_ =	swait.ge [sflag:s13], $0x4000  }
0x3a: {  	[sflag:s13] =	ssyncset.done $0x0  }
0x3b: {  	[sflag:s13] =	ssyncadd.s32 $0xFFFFC000  }
0x3c: {  	[spmem:s2] =	stream.indirect.scatter.add.f32 [tilespmem:s15], [sflag:$0x1], $0x80, s3, s15, $0xb8;
	[tilespmem:$0x17900] =	vst v63  }
0x3d: {  	_ =	swait.ge [sflag:s13], $0x4000  }
0x3e: {  	[sflag:s13] =	ssyncset.done $0x0  }
0x3f: {  	[sflag:s13] =	ssyncadd.s32 $0xFFFFC000  }
0x40: {  	[bflag:$0x0] =	sbarrier.arrive $0xFFFF  }
0x41: {  	[hbm:s7], [sflag:s5] =	dma.local [spmem:s12], $0x2700  }
0x42: {  	s16 =	sadd.s32 $0x1, s16;
	_ =	swait.ge [sflag:s13], $0x2700  }
0x43: {  	p1 =	sne.s32 s16, s9;
	[sflag:s13] =	ssyncset.done $0x0  }
.Ltmp1:
0x44: {  	s17 =	simm.s32 @!p0 $0x1;
	[sflag:s13] =	ssyncadd.s32 $0xFFFFD900;
	(pc) =	sbr.rel @p1 .LBB2_1-.Ltmp1, $4  }
0x45: {  	[hbm:s8], [sflag:s5] =	dma.local @!p0 [spmem:s14], $0x100  }
0x46: {  	_ =	swait.ge @!p0 [sflag:s17], $0x100  }
0x47: {  	[sflag:s17] =	ssyncset.done @!p0 $0x0  }
0x48: {  	[sflag:s17] =	ssyncadd.s32 @!p0 $0xFFFFFF00  }
0x49: {  	_ =	sfence.sel $0x180000  }
0x4a: {  	[bflag:$0x0] =	sbarrier.arrive $0xFFFF  }
0x4b: {  	p0 =	sne.s32 s0, $0x0;
	_ =	strace $0x9000004D  }
0x4c: {  	s0 =	sadd.s32 @!p0 $0x100000, s1;
	[bflag:$0x2] =	sbarrier.arrive $0xFFFF  }
0x4d: {  	[sflag:s0] =	ssyncadd.tile.s32 @!p0 $0x1;
	_ =	shalt  }
.Lfunc_end2:
_tile_overlayer_lowered:
.L_overlay_start_2:
0x4e: {  	(tag) =	ssettag $0x2  }
0x4f: {  	s0 =	rddreg [dreg:$0x0];
	s2 =	stileid.u32  }
0x50: {  	s1 =	rddreg [dreg:$0x1];
	p0 =	sne.s32 s2, $0x0  }
0x51: {  	s3 =	rddreg [dreg:$0x2];
	[bflag:$0x3] =	sbarrier.arrive $0xFFFF;
	s2 =	simm.s32 @!p0 $0x1C01  }
0x52: {  	[timem:s3], [sflag:s2] =	dma.local @!p0 [hbm:s0], s1  }
0x53: {  	s0 =	simm.s32 @!p0 $0x1  }
0x54: {  	_ =	swait.ge @!p0 [sflag:s0], s1  }
0x55: {  	s1 =	ssub.s32 @!p0 $0x0, s1;
	[sflag:s0] =	ssyncset.done @!p0 $0x0  }
0x56: {  	[sflag:s0] =	ssyncadd.s32 @!p0 s1  }
0x57: {  	[bflag:$0x3] =	sbarrier.arrive $0xFFFF  }
0x58: {  	_ =	shalt  }

// kernel: kernel.18.cloned.1.call-start
scs
__scs_entry_jumppad:
0x0: {  	(pc) =	sbr.rel $0x88, $3  }
0x1: {  	(tag) =	ssettag $0x0;
	lr =	simm.s32 $0x1  }
0x2: {  	[smem:$0x3F9D] =	sst lr;
	_ =	strace $0xD0000000  }
0x3: {  	_ = 	snop  }
0x4: {  	_ = 	snop  }
0x5: {  	_ = 	snop  }
0x6: {  	_ = 	snop  }
0x7: {  	_ = 	snop  }
__scs_overlays_trampoline_lowered:
0x8: {  	[smem:$0x3FAC] =	sst s0  }
0x9: {  	[smem:$0x3FAD] =	sst s1  }
0xa: {  	[smem:$0x3FAE] =	sst s2  }
0xb: {  	[smem:$0x3FAF] =	sst s3  }
0xc: {  	[smem:$0x3FB0] =	sst s4  }
0xd: {  	[smem:$0x3FB1] =	sst s5  }
0xe: {  	[smem:$0x3FB2] =	sst s6  }
0xf: {  	[smem:$0x3FB3] =	sst s7  }
0x10: {  	[smem:$0x3FB4] =	sst s8  }
0x11: {  	[smem:$0x3FB5] =	sst s9;
	s0 =	simm.s32 @!p0 $0x0  }
0x12: {  	s1 =	sld [smem:$0x3F9B];
	s0 =	simm.s32 @p0 $0x1  }
0x13: {  	[smem:$0x3FB6] =	sst s0;
	s0 =	simm.s32 @!p1 $0x0  }
0x14: {  	s2 =	sld [smem:$0x3F9A];
	s0 =	simm.s32 @p1 $0x1  }
0x15: {  	[smem:$0x3FB7] =	sst s0;
	s0 =	simm.s32 @!p2 $0x0  }
0x16: {  	s3 =	sld [smem:$0x3FDB];
	s0 =	simm.s32 @p2 $0x1  }
0x17: {  	s4 =	simm.s32 $0x1BF5;
	[smem:$0x3FB9] =	sst s0  }
0x18: {  	s0 =	sld [smem:$0x3F9C];
	_ =	swait.ge [sflag:s4], $0x0  }
0x19: {  	s7 =	sld [smem:$0x3F9D]  }
0x1a: {  	s8 =	sadd.s32 $0xFFFFE003, lr  }
0x1b: {  	s9 =	sadd.s32 $0xFFFFFEF7, lr;
	s5 =	simm.s32 $0xFFFFFFFF;
	p2 =	slt.u32 s8, $0xFFFFF086  }
0x1c: {  	p1 =	slt.u32 s9, $0xF7A;
	s5 =	simm.s32 @!p2 $0x0  }
0x1d: {  	s5 =	simm.s32 @p1 $0x1;
	p0 =	seq.s32 s7, s2  }
0x1e: {  	s7 =	smul.u32 @!p0 $0xF7A, s2;
	p2 =	seq.s32 @!p0 s5, $0x0  }
0x1f: {  	s9 =	smul.u32 $0xF7A, s1;
	s8 =	simm.s32 @!p0 $0x1BF5;
	p2 =	por !p2, p0  }
0x20: {  	[sflag:s8] =	ssyncset.s32 @!p0 $0xFFFFF086;
	s6 =	sadd.s32 @!p0 s3, s7;
	s7 =	simm.s32 @!p0 $0x108  }
0x21: {  	s3 =	sadd.s32 s3, s9;
	s6 =	sadd.s32 @!p0 $0x88, s6;
	s7 =	simm.s32 @p2 $0x1082  }
0x22: {  	[simem:s7], [sflag:s8] =	dma.local @!p0 [hbm:s6], $0xF7A  }
0x23: {  	s9 =	sor.u32 $0xD0000000, s2;
	s6 =	simm.s32 $0x108;
	_ =	swait.ge @!p0 [sflag:s8], $0x0  }
0x24: {  	s3 =	sadd.s32 $0x88, s3;
	s6 =	simm.s32 @!p1 $0x1082;
	[sflag:s4] =	ssyncset.s32 $0xFFFFF086  }
0x25: {  	[simem:s6], [sflag:s4] =	dma.local [hbm:s3], $0xF7A  }
0x26: {  	[smem:$0x3F9D] =	sst s1;
	(tag) =	ssettag s2;
	_ =	strace s9  }
0x27: {  	s1 =	sld [smem:$0x3FAD]  }
0x28: {  	s2 =	sld [smem:$0x3FAE]  }
0x29: {  	s4 =	sld [smem:$0x3FB0]  }
0x2a: {  	p0 =	seq.s32 s5, $0x0;
	s5 =	sld [smem:$0x3FB1]  }
0x2b: {  	s6 =	sld [smem:$0x3FB2]  }
0x2c: {  	s7 =	sld [smem:$0x3FB3]  }
0x2d: {  	s3 =	simm.s32 $0x108;
	s8 =	sld [smem:$0x3FB4]  }
0x2e: {  	s3 =	simm.s32 @!p0 $0x1082;
	s9 =	sld [smem:$0x3FB5]  }
0x2f: {  	lr =	sadd.s32 s0, s3;
	s0 =	sld [smem:$0x3FAC]  }
0x30: {  	s3 =	sld [smem:$0x3FAF]  }
0x31: {  	[smem:$0x3FB8] =	sst s10  }
0x32: {  	s10 =	sld [smem:$0x3FB6];
	_ =	sdelay $0x3  }
0x33: {  	p0 =	seq.s32 s10, $0x1;
	s10 =	sld [smem:$0x3FB8];
	_ =	sdelay $0x3  }
0x34: {  	[smem:$0x3FB8] =	sst s10  }
0x35: {  	s10 =	sld [smem:$0x3FB7];
	_ =	sdelay $0x3  }
0x36: {  	p1 =	seq.s32 s10, $0x1;
	s10 =	sld [smem:$0x3FB8];
	_ =	sdelay $0x3  }
0x37: {  	[smem:$0x3FB8] =	sst s10  }
0x38: {  	s10 =	sld [smem:$0x3FB9]  }
0x39: {  	_ = 	snop;
	(pc) =	sbr.ind lr, $3  }
0x3a: {  	_ = 	snop  }
0x3b: {  	_ = 	snop  }
0x3c: {  	p2 =	seq.s32 s10, $0x1;
	s10 =	sld [smem:$0x3FB8]  }
0x3d: {  	_ =	shalt  }
0x3e: {  	_ =	shalt  }
0x3f: {  	_ =	shalt  }
0x40: {  	_ =	shalt  }
0x41: {  	_ =	shalt  }
0x42: {  	_ =	shalt  }
0x43: {  	_ =	shalt  }
0x44: {  	_ =	shalt  }
0x45: {  	_ =	shalt  }
0x46: {  	_ =	shalt  }
0x47: {  	_ =	shalt  }
0x48: {  	_ =	shalt  }
0x49: {  	_ =	shalt  }
0x4a: {  	_ =	shalt  }
0x4b: {  	_ =	shalt  }
0x4c: {  	_ =	shalt  }
0x4d: {  	_ =	shalt  }
0x4e: {  	_ =	shalt  }
0x4f: {  	_ =	shalt  }
0x50: {  	_ =	shalt  }
0x51: {  	_ =	shalt  }
0x52: {  	_ =	shalt  }
0x53: {  	_ =	shalt  }
0x54: {  	_ =	shalt  }
0x55: {  	_ =	shalt  }
0x56: {  	_ =	shalt  }
0x57: {  	_ =	shalt  }
0x58: {  	_ =	shalt  }
0x59: {  	_ =	shalt  }
0x5a: {  	_ =	shalt  }
0x5b: {  	_ =	shalt  }
0x5c: {  	_ =	shalt  }
0x5d: {  	_ =	shalt  }
0x5e: {  	_ =	shalt  }
0x5f: {  	_ =	shalt  }
0x60: {  	_ =	shalt  }
0x61: {  	_ =	shalt  }
0x62: {  	_ =	shalt  }
0x63: {  	_ =	shalt  }
0x64: {  	_ =	shalt  }
0x65: {  	_ =	shalt  }
0x66: {  	_ =	shalt  }
0x67: {  	_ =	shalt  }
0x68: {  	_ =	shalt  }
0x69: {  	_ =	shalt  }
0x6a: {  	_ =	shalt  }
0x6b: {  	_ =	shalt  }
0x6c: {  	_ =	shalt  }
0x6d: {  	_ =	shalt  }
0x6e: {  	_ =	shalt  }
0x6f: {  	_ =	shalt  }
0x70: {  	_ =	shalt  }
0x71: {  	_ =	shalt  }
0x72: {  	_ =	shalt  }
0x73: {  	_ =	shalt  }
0x74: {  	_ =	shalt  }
0x75: {  	_ =	shalt  }
0x76: {  	_ =	shalt  }
0x77: {  	_ =	shalt  }
0x78: {  	_ =	shalt  }
0x79: {  	_ =	shalt  }
0x7a: {  	_ =	shalt  }
0x7b: {  	_ =	shalt  }
0x7c: {  	_ =	shalt  }
0x7d: {  	_ =	shalt  }
0x7e: {  	_ =	shalt  }
0x7f: {  	_ =	shalt  }
0x80: {  	_ =	shalt  }
0x81: {  	_ =	shalt  }
0x82: {  	_ =	shalt  }
0x83: {  	_ =	shalt  }
0x84: {  	_ =	shalt  }
0x85: {  	_ =	shalt  }
0x86: {  	_ =	shalt  }
0x87: {  	_ =	shalt  }
.Lfunc_end0:
.L_simem_size_0:
called_computation.3_lowered:
.L_overlay_start_0:
0x88: {  	s2 =	sld [smem:$0x3FD9]  }
0x89: {  	s3 =	sld [smem:$0x3FFE];
	_ =	sdelay $0x1  }
0x8a: {  	s1 =	srdreg.scid  }
0x8b: {  	s0 =	sand.u32 $0x1, s1  }
0x8c: {  	s17 =	sshll.u32 s0, $0xA;
	s2 =	sadd.s32 s3, s2  }
0x8d: {  	s2 =	sadd.s32 s2, s17  }
0x8e: {  	[smem:$0x3FC4] =	sst s2  }
0x8f: {  	_ = 	snop  }
0x90: {  	s18 =	sld [smem:$0x3FD0];
	(tm) =	ssettm $0x1  }
0x91: {  	s19 =	sld [smem:$0x3FFB];
	_ =	sdelay $0x3  }
0x92: {  	_ =	strace s19  }
0x93: {  	s2 =	sld [smem:$0x3FFC];
	_ =	sdelay $0x3  }
0x94: {  	_ =	strace s2  }
0x95: {  	s2 =	sld [smem:$0x3FFD];
	_ =	sdelay $0x3  }
0x96: {  	_ =	strace s2  }
0x97: {  	_ =	strace $0x8FFFFFFF  }
0x98: {  	s20 =	sld [smem:$0x3FDB];
	_ =	sdelay $0x1  }
0x99: {  	s4 =	simm.s32 $_scs_section_size  }
0x9a: {  	s5 =	simm.s32 $_size__tile_overlayer_lowered;
	s6 =	simm.s32 $_tile_overlayer_lowered  }
0x9b: {  	s7 =	simm.s32 $0x1BFF;
	s21 =	sshll.u32 s6, $0x1;
	s4 =	sadd.s32 s4, s20  }
0x9c: {  	s22 =	simm.s32 $0x0;
	s5 =	sshll.u32 s5, $0x1;
	s6 =	sadd.s32 s21, s4  }
0x9d: {  	[timem:s22], [sflag:s7] =	dma.local [hbm:s6], s5  }
0x9e: {  	_ =	swait.ge [sflag:s7], s5  }
0x9f: {  	s5 =	ssub.s32 $0x0, s5;
	[sflag:s7] =	ssyncset.done $0x0  }
0xa0: {  	[sflag:s7] =	ssyncadd.s32 s5;
	_ =	sdelay $0x1  }
0xa1: {  	s23 =	simm.s32 $0x1B8B  }
0xa2: {  	_ =	swait.ge [sflag:s23], $0x1  }
0xa3: {  	[sflag:s23] =	ssyncset.done $0x0  }
0xa4: {  	[sflag:s23] =	ssyncadd.s32 $0xFFFFFFFF  }
0xa5: {  	s5 =	sld [smem:$0x0]  }
0xa6: {  	s6 =	sand.u32 $0xFFFFFFFE, s1  }
0xa7: {  	p0 =	sne.s32 s1, s6  }
0xa8: {  	s6 =	sshll.u32 @p0 s6, $0xE  }
0xa9: {  	s6 =	sadd.s32 @p0 $0x11B8D, s6;
	s7 =	sshll.u32 @p0 s5, $0x11  }
0xaa: {  	s6 =	sor.u32 @p0 s7, s6  }
0xab: {  	[sflag:s6] =	ssyncadd.remote.s32 @p0 $0x1;
	_ =	sdelay $0x1  }
0xac: {  	s6 =	simm.s32 @p0 $0x1B8D  }
0xad: {  	_ =	swait.eq @p0 [sflag:s6], $0x1  }
0xae: {  	[sflag:s6] =	ssyncadd.s32 @p0 $0xFFFFFFFF  }
0xaf: {  	s7 =	sshll.u32 @!p0 s1, $0xE  }
0xb0: {  	s7 =	sor.u32 @!p0 $0x4000, s7;
	s6 =	simm.s32 @!p0 $0x1B8D  }
0xb1: {  	s5 =	sshll.u32 @!p0 s5, $0x11;
	s7 =	sadd.s32 @!p0 $0x11B8D, s7;
	_ =	swait.eq @!p0 [sflag:s6], $0x1  }
0xb2: {  	s5 =	sor.u32 @!p0 s5, s7;
	[sflag:s6] =	ssyncadd.s32 @!p0 $0xFFFFFFFF  }
0xb3: {  	s25 =	simm.s32 $0x1B8E;
	s24 =	sld [smem:$0x3FFE];
	[sflag:s5] =	ssyncadd.remote.s32 @!p0 $0x1  }
0xb4: {  	s26 =	simm.s32 $execute0_lowered;
	[smem:$0x3FD2] =	sst s25  }
0xb5: {  	s6 =	sshll.u32 s26, $0x1;
	_ =	strace $0x8000004F;
	[dreg:$0x1] =	wrdreg $0xFFFFFFFF  }
0xb6: {  	s28 =	simm.s32 $_size_execute0_lowered;
	s4 =	sadd.s32 s4, s6;
	[dreg:$0x0] =	wrdreg $0x0  }
0xb7: {  	s6 =	sshll.u32 s28, $0x1;
	[dreg:$0x2] =	wrdreg s4  }
0xb8: {  	[dreg:$0x3] =	wrdreg s6  }
0xb9: {  	[dreg:$0x4] =	wrdreg $0xC0  }
0xba: {  	_ =	task [dreg:s22], $0x5FFFF  }
0xbb: {  	[dreg:$0x1] =	wrdreg $0xFFFFFFFF  }
0xbc: {  	[dreg:$0x0] =	wrdreg $0x60  }
0xbd: {  	[dreg:$0x2] =	wrdreg s24  }
0xbe: {  	[dreg:$0x3] =	wrdreg s18  }
0xbf: {  	[dreg:$0x4] =	wrdreg $0x45000  }
0xc0: {  	[dreg:$0x5] =	wrdreg $0x9  }
0xc1: {  	_ =	task.clear_ibuf [dreg:s22], $0x6FFFF;
	_ =	strace $0x9000004F  }
0xc2: {  	s29 =	simm.s32 $0x9;
	_ =	strace $0x80000051  }
0xc3: {  	_ =	swait.ge [sflag:s29], $0x1  }
0xc4: {  	[sflag:s29] =	ssyncadd.s32 $0xFFFFFFFF  }
0xc5: {  	_ =	strace $0x90000051  }
0xc6: {  	_ =	sfence  }
0xc7: {  	s30 =	sld [smem:$0x0];
	_ =	sdelay $0x2  }
0xc8: {  	s31 =	sshll.u32 s1, $0xD;
	s1 =	sshrl.u32 s1, $0x2  }
0xc9: {  	s4 =	sand.u32 $0x4000, s31;
	s1 =	sadd.s32 s1, s30  }
0xca: {  	s0 =	sor.u32 s4, s0;
	s1 =	sshll.u32 s1, $0x11  }
0xcb: {  	s0 =	sor.u32 s1, s0  }
0xcc: {  	s0 =	sadd.s32 $0x8F2B, s0  }
0xcd: {  	[sflag:s0] =	ssyncadd.remote.s32 $0x1  }
0xce: {  	_ =	sfence.sel $0xFFFF  }
0xcf: {  	[dreg:$0x0] =	wrdreg $0xFFFFFFFF;
	(pc) =	sbr.abs _section_cstart, $3  }
0xd0: {  	[dreg:$0x1] =	wrdreg $0xFFFFFFFF  }
0xd1: {  	_ =	task.clear_ibuf [dreg:s22], $0x2FFFF;
	_ =	strace $0x9FFFFFFF  }
0xd2: {  	(tm) =	ssettm $0x7FFFFFFF  }
0xd3: {  	_ =	shalt  }
tec
execute0_lowered:
.L_overlay_start_1:
0x0: {  	(tag) =	ssettag $0x1  }
0x1: {  	s3 =	rddreg [dreg:$0x0]  }
0x2: {  	s11 =	sadd.s32 $0x3B7A00, s3  }
0x3: {  	s13 =	sadd.s32 $0x52400, s3;
	s12 =	sadd.s32 $0x54C00, s3;
	s3 =	stileid.u32  }
0x4: {  	s4 =	srdreg.scid;
	s8 =	smul.u32 $0x4E000, s3  }
0x5: {  	s6 =	rddreg [dreg:$0x1];
	s10 =	sand.u32 $0x1, s4;
	s9 =	smul.u32 $0x2700, s3  }
0x6: {  	s1 =	rddreg [dreg:$0x2];
	s17 =	smul.u32 $0x27100, s10  }
0x7: {  	s0 =	rddreg [dreg:$0x3];
	s18 =	smul.u32 $0x138800, s10  }
0x8: {  	s2 =	simm.s32 $0x0;
	s21 =	simm.s32 $0x0;
	s19 =	smul.u32 $0x1310, s3  }
0x9: {  	[smem:$0x7FF] =	sst s2;
	s16 =	sadd.s32 $0x138000, s1;
	s29 =	smul.u32 $0x988, s10  }
0xa: {  	_ =	strace $0x80000050;
	s4 =	ssub.s32 $0x2, s10;
	s20 =	smul.u32 $0x13100, s3  }
0xb: {  	s7 =	sshll.u32 s3, $0x1;
	s25 =	sshll.u32 s3, $0x6;
	s30 =	smul.u32 $0x9880, s10  }
0xc: {  	p0 =	sne.s32 s3, $0xF;
	s5 =	sshrl.u32 s4, $0x1;
	s23 =	sor.u32 s10, s7  }
0xd: {  	s16 =	sshrl.u32 @!p0 s16, $0x3;
	s14 =	ssub.s32 s4, s5;
	s24 =	sshrl.u32 s8, $0x2  }
0xe: {  	s26 =	smul.u32 $0x988, s23;
	s4 =	sadd.s32 s6, s9;
	s5 =	sor.u32 $0x1C01, s25  }
0xf: {  	s6 =	sadd.s32 $0x27000, s6;
	s9 =	sadd.s32 s9, s17;
	s18 =	sshrl.u32 s18, $0x3  }
0x10: {  	s17 =	sadd.s32 s29, s19;
	s31 =	sadd.s32 s20, s11;
	s19 =	simm.s32 $0x4100  }
0x11: {  	s20 =	simm.s32 $0x8;
	s15 =	sadd.s32 s24, s1;
	s9 =	sadd.s32 s12, s9  }
0x12: {  	s12 =	sadd.s32 s12, s18;
	s17 =	sshrl.u32 s17, $0x3;
	s8 =	sadd.s32 $0x980, s26  }
0x13: {  	s18 =	simm.s32 $0x80;
	s10 =	sadd.s32 $0x27000, s12;
	s28 =	sshrl.u32 s8, $0x3  }
0x14: {  	s12 =	sadd.s32 s30, s31;
	s8 =	sshll.u32 s8, $0x4;
	s7 =	sadd.s32 s13, s28  }
0x15: {  	s8 =	sadd.s32 s11, s8;
	s11 =	smax.u32 s14, $0x1;
	s13 =	sadd.s32 s17, s13  }
0x16: {  	s14 =	sshrl.u32 s15, $0x3;
	s15 =	simm.s32 $0x1;
	s17 =	simm.s32 $0x100  }
.LBB2_1:
0x17: {  	[spmem:s14], [sflag:s5] =	dma.local [hbm:s4], $0x2700  }
0x18: {  	_ =	swait.ge [sflag:s15], $0x2700  }
0x19: {  	[sflag:s15] =	ssyncset.done $0x0  }
0x1a: {  	s22 =	simm.s32 @!p0 $0x1;
	[sflag:s15] =	ssyncadd.s32 $0xFFFFD900  }
0x1b: {  	[spmem:s16], [sflag:s5] =	dma.local @!p0 [hbm:s6], $0x100  }
0x1c: {  	_ =	swait.ge @!p0 [sflag:s22], $0x100  }
0x1d: {  	[sflag:s22] =	ssyncset.done @!p0 $0x0  }
0x1e: {  	[sflag:s22] =	ssyncadd.s32 @!p0 $0xFFFFFF00  }
0x1f: {  	s31 =	sadd.s32 $0x0, s13;
	[bflag:$0x0] =	sbarrier.arrive $0xFFFF  }
0x20: {  	[tilespmem:s2], [sflag:$0x1] =	stream.linear.gather [hbm4b:s31+s2], $0x80, $0x38;
	[tilespmem:$0x17D80] =	vst v63  }
0x21: {  	_ =	swait.ge [sflag:s15], $0x80  }
0x22: {  	[sflag:s15] =	ssyncset.done $0x0  }
0x23: {  	[sflag:s15] =	ssyncadd.s32 $0xFFFFFF80  }
0x24: {  	[tilespmem:s17], [sflag:$0x1] =	stream.linear.gather [hbm4b:s12+s2], $0x4000, $0x38;
	[tilespmem:$0x17D80] =	vst v63  }
0x25: {  	_ =	swait.ge [sflag:s15], $0x4000  }
0x26: {  	[sflag:s15] =	ssyncset.done $0x0  }
0x27: {  	[sflag:s15] =	ssyncadd.s32 $0xFFFFC000  }
0x28: {  	[spmem:s1] =	stream.indirect.scatter.add.f32 [tilespmem:s17], [sflag:$0x1], $0x80, s2, s18, $0xb8;
	[tilespmem:$0x17D80] =	vst v63  }
0x29: {  	s23 =	simm.s32 $0x10;
	_ =	swait.ge [sflag:s15], $0x4000  }
0x2a: {  	s24 =	simm.s32 $0x20;
	s22 =	sadd.s32 $0x800, s12;
	[sflag:s15] =	ssyncset.done $0x0  }
.LBB2_2:
0x2b: {  	s25 =	sadd.s32 s23, s13  }
0x2c: {  	[sflag:s15] =	ssyncadd.s32 $0xFFFFC000;
	s23 =	smov.u32 s24;
	s26 =	sadd.s32 $0x10, s24  }
0x2d: {  	[tilespmem:s2], [sflag:$0x1] =	stream.linear.gather [hbm4b:s25+s2], $0x80, $0x38;
	[tilespmem:$0x17D80] =	vst v63  }
0x2e: {  	p1 =	sne.s32 s24, $0x120;
	_ =	swait.ge [sflag:s15], $0x80  }
0x2f: {  	[sflag:s15] =	ssyncset.done $0x0  }
0x30: {  	[sflag:s15] =	ssyncadd.s32 $0xFFFFFF80  }
0x31: {  	[tilespmem:s17], [sflag:$0x1] =	stream.linear.gather [hbm4b:s22+s2], $0x4000, $0x38;
	[tilespmem:$0x17D80] =	vst v63  }
0x32: {  	_ =	swait.ge [sflag:s15], $0x4000  }
.Ltmp0:
0x33: {  	[sflag:s15] =	ssyncset.done $0x0;
	(pc) =	sbr.rel @p1 .LBB2_2-.Ltmp0, $4  }
0x34: {  	[sflag:s15] =	ssyncadd.s32 $0xFFFFC000  }
0x35: {  	[spmem:s1] =	stream.indirect.scatter.add.f32 [tilespmem:s17], [sflag:$0x1], $0x80, s2, s18, $0xb8;
	[tilespmem:$0x17D80] =	vst v63  }
0x36: {  	_ =	swait.ge [sflag:s15], $0x4000  }
0x37: {  	s24 =	smov.u32 s26;
	s22 =	sadd.s32 $0x800, s22;
	[sflag:s15] =	ssyncset.done $0x0  }
0x38: {  	s23 =	sadd.s32 s23, s13;
	[sflag:s15] =	ssyncadd.s32 $0xFFFFC000  }
0x39: {  	[tilespmem:s2], [sflag:$0x1] =	stream.linear.gather [hbm4b:s23+s2], $0x80, $0x38;
	[tilespmem:$0x17D80] =	vst v63  }
0x3a: {  	_ =	swait.ge [sflag:s15], $0x80  }
0x3b: {  	[sflag:s15] =	ssyncset.done $0x0  }
0x3c: {  	[sflag:s15] =	ssyncadd.s32 $0xFFFFFF80  }
0x3d: {  	[tilespmem:s17], [sflag:$0x1] =	stream.linear.gather [hbm4b:s22+s2], $0x4000, $0x38;
	[tilespmem:$0x17D80] =	vst v63  }
0x3e: {  	_ =	swait.ge [sflag:s15], $0x4000  }
0x3f: {  	[sflag:s15] =	ssyncset.done $0x0  }
0x40: {  	[sflag:s15] =	ssyncadd.s32 $0xFFFFC000  }
0x41: {  	[spmem:s1] =	stream.indirect.scatter.add.f32 [tilespmem:s17], [sflag:$0x1], $0x80, s2, s18, $0xb8;
	[tilespmem:$0x17D80] =	vst v63  }
0x42: {  	_ =	swait.ge [sflag:s15], $0x4000  }
0x43: {  	[sflag:s15] =	ssyncset.done $0x0  }
0x44: {  	[sflag:s15] =	ssyncadd.s32 $0xFFFFC000  }
0x45: {  	[tilespmem:s18], [sflag:$0x1] =	stream.linear.gather [hbm4b:s7+s2], $0x8, $0x38;
	[tilespmem:$0x17D80] =	vst v63  }
0x46: {  	_ =	swait.ge [sflag:s15], $0x8  }
0x47: {  	[sflag:s15] =	ssyncset.done $0x0  }
0x48: {  	[sflag:s15] =	ssyncadd.s32 $0xFFFFFFF8  }
0x49: {  	[tilespmem:s19], [sflag:$0x1] =	stream.linear.gather [hbm4b:s8+s2], $0x400, $0x38;
	[tilespmem:$0x17D80] =	vst v63  }
0x4a: {  	_ =	swait.ge [sflag:s15], $0x400  }
0x4b: {  	[sflag:s15] =	ssyncset.done $0x0  }
0x4c: {  	[sflag:s15] =	ssyncadd.s32 $0xFFFFFC00  }
0x4d: {  	[spmem:s1] =	stream.indirect.scatter.add.f32 [tilespmem:s19], [sflag:$0x1], $0x80, s18, s20, $0xb8;
	[tilespmem:$0x17D80] =	vst v63  }
0x4e: {  	_ =	swait.ge [sflag:s15], $0x400  }
0x4f: {  	[sflag:s15] =	ssyncset.done $0x0  }
0x50: {  	[sflag:s15] =	ssyncadd.s32 $0xFFFFFC00  }
0x51: {  	[bflag:$0x0] =	sbarrier.arrive $0xFFFF  }
0x52: {  	[hbm:s9], [sflag:s5] =	dma.local [spmem:s14], $0x2700  }
0x53: {  	s21 =	sadd.s32 $0x1, s21;
	_ =	swait.ge [sflag:s15], $0x2700  }
0x54: {  	p1 =	sne.s32 s21, s11;
	[sflag:s15] =	ssyncset.done $0x0  }
.Ltmp1:
0x55: {  	s22 =	simm.s32 @!p0 $0x1;
	[sflag:s15] =	ssyncadd.s32 $0xFFFFD900;
	(pc) =	sbr.rel @p1 .LBB2_1-.Ltmp1, $4  }
0x56: {  	[hbm:s10], [sflag:s5] =	dma.local @!p0 [spmem:s16], $0x100  }
0x57: {  	_ =	swait.ge @!p0 [sflag:s22], $0x100  }
0x58: {  	[sflag:s22] =	ssyncset.done @!p0 $0x0  }
0x59: {  	[sflag:s22] =	ssyncadd.s32 @!p0 $0xFFFFFF00  }
0x5a: {  	_ =	sfence.sel $0x180000  }
0x5b: {  	[bflag:$0x0] =	sbarrier.arrive $0xFFFF  }
0x5c: {  	p0 =	sne.s32 s3, $0x0;
	_ =	strace $0x90000050  }
0x5d: {  	s0 =	sadd.s32 @!p0 $0x100000, s0;
	[bflag:$0x2] =	sbarrier.arrive $0xFFFF  }
0x5e: {  	[sflag:s0] =	ssyncadd.tile.s32 @!p0 $0x1;
	_ =	shalt  }
.Lfunc_end2:
_tile_overlayer_lowered:
.L_overlay_start_2:
0x5f: {  	(tag) =	ssettag $0x2  }
0x60: {  	s0 =	rddreg [dreg:$0x0];
	s2 =	stileid.u32  }
0x61: {  	s1 =	rddreg [dreg:$0x1];
	p0 =	sne.s32 s2, $0x0  }
0x62: {  	s3 =	rddreg [dreg:$0x2];
	[bflag:$0x3] =	sbarrier.arrive $0xFFFF;
	s2 =	simm.s32 @!p0 $0x1C01  }
0x63: {  	[timem:s3], [sflag:s2] =	dma.local @!p0 [hbm:s0], s1  }
0x64: {  	s0 =	simm.s32 @!p0 $0x1  }
0x65: {  	_ =	swait.ge @!p0 [sflag:s0], s1  }
0x66: {  	s1 =	ssub.s32 @!p0 $0x0, s1;
	[sflag:s0] =	ssyncset.done @!p0 $0x0  }
0x67: {  	[sflag:s0] =	ssyncadd.s32 @!p0 s1  }
0x68: {  	[bflag:$0x3] =	sbarrier.arrive $0xFFFF  }
0x69: {  	_ =	shalt  }

// kernel: kernel.9.cloned.1.call-start
scs
__scs_entry_jumppad:
0x0: {  	(pc) =	sbr.rel $0x88, $3  }
0x1: {  	(tag) =	ssettag $0x0;
	lr =	simm.s32 $0x1  }
0x2: {  	[smem:$0x3F9D] =	sst lr;
	_ =	strace $0xD0000000  }
0x3: {  	_ = 	snop  }
0x4: {  	_ = 	snop  }
0x5: {  	_ = 	snop  }
0x6: {  	_ = 	snop  }
0x7: {  	_ = 	snop  }
__scs_overlays_trampoline_lowered:
0x8: {  	[smem:$0x3FAC] =	sst s0  }
0x9: {  	[smem:$0x3FAD] =	sst s1  }
0xa: {  	[smem:$0x3FAE] =	sst s2  }
0xb: {  	[smem:$0x3FAF] =	sst s3  }
0xc: {  	[smem:$0x3FB0] =	sst s4  }
0xd: {  	[smem:$0x3FB1] =	sst s5  }
0xe: {  	[smem:$0x3FB2] =	sst s6  }
0xf: {  	[smem:$0x3FB3] =	sst s7  }
0x10: {  	[smem:$0x3FB4] =	sst s8  }
0x11: {  	[smem:$0x3FB5] =	sst s9;
	s0 =	simm.s32 @!p0 $0x0  }
0x12: {  	s1 =	sld [smem:$0x3F9B];
	s0 =	simm.s32 @p0 $0x1  }
0x13: {  	[smem:$0x3FB6] =	sst s0;
	s0 =	simm.s32 @!p1 $0x0  }
0x14: {  	s2 =	sld [smem:$0x3F9A];
	s0 =	simm.s32 @p1 $0x1  }
0x15: {  	[smem:$0x3FB7] =	sst s0;
	s0 =	simm.s32 @!p2 $0x0  }
0x16: {  	s3 =	sld [smem:$0x3FDB];
	s0 =	simm.s32 @p2 $0x1  }
0x17: {  	s4 =	simm.s32 $0x1BF5;
	[smem:$0x3FB9] =	sst s0  }
0x18: {  	s0 =	sld [smem:$0x3F9C];
	_ =	swait.ge [sflag:s4], $0x0  }
0x19: {  	s7 =	sld [smem:$0x3F9D]  }
0x1a: {  	s8 =	sadd.s32 $0xFFFFE003, lr  }
0x1b: {  	s9 =	sadd.s32 $0xFFFFFEF7, lr;
	s5 =	simm.s32 $0xFFFFFFFF;
	p2 =	slt.u32 s8, $0xFFFFF086  }
0x1c: {  	p1 =	slt.u32 s9, $0xF7A;
	s5 =	simm.s32 @!p2 $0x0  }
0x1d: {  	s5 =	simm.s32 @p1 $0x1;
	p0 =	seq.s32 s7, s2  }
0x1e: {  	s7 =	smul.u32 @!p0 $0xF7A, s2;
	p2 =	seq.s32 @!p0 s5, $0x0  }
0x1f: {  	s9 =	smul.u32 $0xF7A, s1;
	s8 =	simm.s32 @!p0 $0x1BF5;
	p2 =	por !p2, p0  }
0x20: {  	[sflag:s8] =	ssyncset.s32 @!p0 $0xFFFFF086;
	s6 =	sadd.s32 @!p0 s3, s7;
	s7 =	simm.s32 @!p0 $0x108  }
0x21: {  	s3 =	sadd.s32 s3, s9;
	s6 =	sadd.s32 @!p0 $0x88, s6;
	s7 =	simm.s32 @p2 $0x1082  }
0x22: {  	[simem:s7], [sflag:s8] =	dma.local @!p0 [hbm:s6], $0xF7A  }
0x23: {  	s9 =	sor.u32 $0xD0000000, s2;
	s6 =	simm.s32 $0x108;
	_ =	swait.ge @!p0 [sflag:s8], $0x0  }
0x24: {  	s3 =	sadd.s32 $0x88, s3;
	s6 =	simm.s32 @!p1 $0x1082;
	[sflag:s4] =	ssyncset.s32 $0xFFFFF086  }
0x25: {  	[simem:s6], [sflag:s4] =	dma.local [hbm:s3], $0xF7A  }
0x26: {  	[smem:$0x3F9D] =	sst s1;
	(tag) =	ssettag s2;
	_ =	strace s9  }
0x27: {  	s1 =	sld [smem:$0x3FAD]  }
0x28: {  	s2 =	sld [smem:$0x3FAE]  }
0x29: {  	s4 =	sld [smem:$0x3FB0]  }
0x2a: {  	p0 =	seq.s32 s5, $0x0;
	s5 =	sld [smem:$0x3FB1]  }
0x2b: {  	s6 =	sld [smem:$0x3FB2]  }
0x2c: {  	s7 =	sld [smem:$0x3FB3]  }
0x2d: {  	s3 =	simm.s32 $0x108;
	s8 =	sld [smem:$0x3FB4]  }
0x2e: {  	s3 =	simm.s32 @!p0 $0x1082;
	s9 =	sld [smem:$0x3FB5]  }
0x2f: {  	lr =	sadd.s32 s0, s3;
	s0 =	sld [smem:$0x3FAC]  }
0x30: {  	s3 =	sld [smem:$0x3FAF]  }
0x31: {  	[smem:$0x3FB8] =	sst s10  }
0x32: {  	s10 =	sld [smem:$0x3FB6];
	_ =	sdelay $0x3  }
0x33: {  	p0 =	seq.s32 s10, $0x1;
	s10 =	sld [smem:$0x3FB8];
	_ =	sdelay $0x3  }
0x34: {  	[smem:$0x3FB8] =	sst s10  }
0x35: {  	s10 =	sld [smem:$0x3FB7];
	_ =	sdelay $0x3  }
0x36: {  	p1 =	seq.s32 s10, $0x1;
	s10 =	sld [smem:$0x3FB8];
	_ =	sdelay $0x3  }
0x37: {  	[smem:$0x3FB8] =	sst s10  }
0x38: {  	s10 =	sld [smem:$0x3FB9]  }
0x39: {  	_ = 	snop;
	(pc) =	sbr.ind lr, $3  }
0x3a: {  	_ = 	snop  }
0x3b: {  	_ = 	snop  }
0x3c: {  	p2 =	seq.s32 s10, $0x1;
	s10 =	sld [smem:$0x3FB8]  }
0x3d: {  	_ =	shalt  }
0x3e: {  	_ =	shalt  }
0x3f: {  	_ =	shalt  }
0x40: {  	_ =	shalt  }
0x41: {  	_ =	shalt  }
0x42: {  	_ =	shalt  }
0x43: {  	_ =	shalt  }
0x44: {  	_ =	shalt  }
0x45: {  	_ =	shalt  }
0x46: {  	_ =	shalt  }
0x47: {  	_ =	shalt  }
0x48: {  	_ =	shalt  }
0x49: {  	_ =	shalt  }
0x4a: {  	_ =	shalt  }
0x4b: {  	_ =	shalt  }
0x4c: {  	_ =	shalt  }
0x4d: {  	_ =	shalt  }
0x4e: {  	_ =	shalt  }
0x4f: {  	_ =	shalt  }
0x50: {  	_ =	shalt  }
0x51: {  	_ =	shalt  }
0x52: {  	_ =	shalt  }
0x53: {  	_ =	shalt  }
0x54: {  	_ =	shalt  }
0x55: {  	_ =	shalt  }
0x56: {  	_ =	shalt  }
0x57: {  	_ =	shalt  }
0x58: {  	_ =	shalt  }
0x59: {  	_ =	shalt  }
0x5a: {  	_ =	shalt  }
0x5b: {  	_ =	shalt  }
0x5c: {  	_ =	shalt  }
0x5d: {  	_ =	shalt  }
0x5e: {  	_ =	shalt  }
0x5f: {  	_ =	shalt  }
0x60: {  	_ =	shalt  }
0x61: {  	_ =	shalt  }
0x62: {  	_ =	shalt  }
0x63: {  	_ =	shalt  }
0x64: {  	_ =	shalt  }
0x65: {  	_ =	shalt  }
0x66: {  	_ =	shalt  }
0x67: {  	_ =	shalt  }
0x68: {  	_ =	shalt  }
0x69: {  	_ =	shalt  }
0x6a: {  	_ =	shalt  }
0x6b: {  	_ =	shalt  }
0x6c: {  	_ =	shalt  }
0x6d: {  	_ =	shalt  }
0x6e: {  	_ =	shalt  }
0x6f: {  	_ =	shalt  }
0x70: {  	_ =	shalt  }
0x71: {  	_ =	shalt  }
0x72: {  	_ =	shalt  }
0x73: {  	_ =	shalt  }
0x74: {  	_ =	shalt  }
0x75: {  	_ =	shalt  }
0x76: {  	_ =	shalt  }
0x77: {  	_ =	shalt  }
0x78: {  	_ =	shalt  }
0x79: {  	_ =	shalt  }
0x7a: {  	_ =	shalt  }
0x7b: {  	_ =	shalt  }
0x7c: {  	_ =	shalt  }
0x7d: {  	_ =	shalt  }
0x7e: {  	_ =	shalt  }
0x7f: {  	_ =	shalt  }
0x80: {  	_ =	shalt  }
0x81: {  	_ =	shalt  }
0x82: {  	_ =	shalt  }
0x83: {  	_ =	shalt  }
0x84: {  	_ =	shalt  }
0x85: {  	_ =	shalt  }
0x86: {  	_ =	shalt  }
0x87: {  	_ =	shalt  }
.Lfunc_end0:
.L_simem_size_0:
called_computation_lowered:
.L_overlay_start_0:
0x88: {  	s2 =	sld [smem:$0x3FD9]  }
0x89: {  	s3 =	sld [smem:$0x3FFE];
	_ =	sdelay $0x1  }
0x8a: {  	s1 =	srdreg.scid  }
0x8b: {  	s0 =	sand.u32 $0x1, s1  }
0x8c: {  	s17 =	sshll.u32 s0, $0xA;
	s2 =	sadd.s32 s3, s2  }
0x8d: {  	s2 =	sadd.s32 s2, s17  }
0x8e: {  	[smem:$0x3FC4] =	sst s2  }
0x8f: {  	_ = 	snop  }
0x90: {  	s2 =	sld [smem:$0x3FC8]  }
0x91: {  	s18 =	sld [smem:$0x3FD0];
	(tm) =	ssettm $0x1  }
0x92: {  	s4 =	sld [smem:$0x3FFB];
	_ =	sdelay $0x3  }
0x93: {  	_ =	strace s4  }
0x94: {  	s4 =	sld [smem:$0x3FFC];
	_ =	sdelay $0x3  }
0x95: {  	_ =	strace s4  }
0x96: {  	s4 =	sld [smem:$0x3FFD];
	_ =	sdelay $0x3  }
0x97: {  	_ =	strace s4  }
0x98: {  	_ =	strace $0x8FFFFFFF  }
0x99: {  	s19 =	sld [smem:$0x3FDB];
	_ =	sdelay $0x1  }
0x9a: {  	s5 =	simm.s32 $_scs_section_size  }
0x9b: {  	s6 =	simm.s32 $_size__tile_overlayer_lowered;
	s7 =	simm.s32 $_tile_overlayer_lowered  }
0x9c: {  	s22 =	simm.s32 $0x1BFF;
	s21 =	sshll.u32 s7, $0x1;
	s4 =	sadd.s32 s5, s19  }
0x9d: {  	s8 =	simm.s32 $0x0;
	s20 =	sshll.u32 s6, $0x1;
	s6 =	sadd.s32 s21, s4  }
0x9e: {  	[timem:s8], [sflag:s22] =	dma.local [hbm:s6], s20  }
0x9f: {  	_ =	swait.ge [sflag:s22], s20  }
0xa0: {  	s5 =	ssub.s32 $0x0, s20;
	[sflag:s22] =	ssyncset.done $0x0  }
0xa1: {  	[sflag:s22] =	ssyncadd.s32 s5;
	_ =	sdelay $0x1  }
0xa2: {  	s23 =	simm.s32 $0x1B8B  }
0xa3: {  	_ =	swait.ge [sflag:s23], $0x1  }
0xa4: {  	[sflag:s23] =	ssyncset.done $0x0  }
0xa5: {  	s25 =	simm.s32 $0x1B8E;
	s24 =	sld [smem:$0x3FFE];
	[sflag:s23] =	ssyncadd.s32 $0xFFFFFFFF  }
0xa6: {  	s26 =	simm.s32 $execute0_lowered;
	[smem:$0x3FD2] =	sst s25  }
0xa7: {  	s6 =	sshll.u32 s26, $0x1;
	_ =	strace $0x80000046;
	[dreg:$0x1] =	wrdreg $0xFFFFFFFF  }
0xa8: {  	s28 =	simm.s32 $_size_execute0_lowered;
	s4 =	sadd.s32 s4, s6;
	[dreg:$0x0] =	wrdreg $0x0  }
0xa9: {  	s6 =	sshll.u32 s28, $0x1;
	[dreg:$0x2] =	wrdreg s4  }
0xaa: {  	[dreg:$0x3] =	wrdreg s6  }
0xab: {  	[dreg:$0x4] =	wrdreg $0xC0  }
0xac: {  	_ =	task [dreg:s8], $0x5FFFF  }
0xad: {  	[dreg:$0x1] =	wrdreg $0xFFFFFFFF  }
0xae: {  	[dreg:$0x0] =	wrdreg $0x60  }
0xaf: {  	[dreg:$0x2] =	wrdreg s2  }
0xb0: {  	[dreg:$0x3] =	wrdreg s18  }
0xb1: {  	[dreg:$0x4] =	wrdreg s24  }
0xb2: {  	[dreg:$0x5] =	wrdreg $0xA  }
0xb3: {  	_ =	task.clear_ibuf [dreg:s8], $0x6FFFF;
	_ =	strace $0x90000046  }
0xb4: {  	s29 =	simm.s32 $0xA;
	_ =	strace $0x80000048  }
0xb5: {  	_ =	swait.ge [sflag:s29], $0x1  }
0xb6: {  	[sflag:s29] =	ssyncadd.s32 $0xFFFFFFFF  }
0xb7: {  	_ =	strace $0x90000048  }
0xb8: {  	_ =	sfence  }
0xb9: {  	s30 =	sld [smem:$0x0];
	_ =	sdelay $0x2  }
0xba: {  	s31 =	sshll.u32 s1, $0xD;
	s1 =	sshrl.u32 s1, $0x2  }
0xbb: {  	s3 =	sand.u32 $0x4000, s31;
	s1 =	sadd.s32 s1, s30  }
0xbc: {  	s0 =	sor.u32 s3, s0;
	s1 =	sshll.u32 s1, $0x11  }
0xbd: {  	s0 =	sor.u32 s1, s0  }
0xbe: {  	s0 =	sadd.s32 $0x8F2B, s0  }
0xbf: {  	[sflag:s0] =	ssyncadd.remote.s32 $0x1  }
0xc0: {  	_ =	sfence.sel $0xFFFF  }
0xc1: {  	[dreg:$0x0] =	wrdreg $0xFFFFFFFF;
	(pc) =	sbr.abs _section_cstart, $3  }
0xc2: {  	[dreg:$0x1] =	wrdreg $0xFFFFFFFF  }
0xc3: {  	_ =	task.clear_ibuf [dreg:s8], $0x2FFFF;
	_ =	strace $0x9FFFFFFF  }
0xc4: {  	(tm) =	ssettm $0x7FFFFFFF  }
0xc5: {  	_ =	shalt  }
tec
execute0_lowered:
.L_overlay_start_1:
0x0: {  	(tag) =	ssettag $0x1  }
0x1: {  	s2 =	rddreg [dreg:$0x0]  }
0x2: {  	s4 =	rddreg [dreg:$0x1]  }
0x3: {  	s5 =	rddreg [dreg:$0x2]  }
0x4: {  	s3 =	srdreg.scid;
	s1 =	stileid.u32  }
0x5: {  	s0 =	rddreg [dreg:$0x3];
	s11 =	simm.s32 $0x0;
	s6 =	sand.u32 $0x1, s3  }
0x6: {  	s7 =	smul.u32 $0xA0000, s1;
	s3 =	simm.s32 $0x0;
	s9 =	sshll.u32 s1, $0x1  }
0x7: {  	s8 =	smul.u32 $0x50000, s6;
	[smem:$0x7FF] =	sst s3;
	s10 =	ssub.s32 $0x2, s6  }
0x8: {  	s6 =	sor.u32 s6, s9;
	s9 =	simm.s32 $0xA00;
	s31 =	sshrl.u32 s10, $0x1  }
0x9: {  	s6 =	smul.u32 $0x140, s6;
	_ =	strace $0x80000047;
	s7 =	sadd.s32 s8, s7  }
0xa: {  	s8 =	ssub.s32 s10, s31;
	s10 =	simm.s32 $0x1;
	s7 =	sshrl.u32 s7, $0x3  }
0xb: {  	s4 =	sadd.s32 s4, s6;
	s7 =	sadd.s32 s7, s5;
	s5 =	smax.u32 s8, $0x1  }
0xc: {  	s8 =	simm.s32 $0x80;
	s6 =	sadd.s32 $0x4200, s7;
	s7 =	simm.s32 $0x2  }
.LBB2_1:
0xd: {  	[tilespmem:s3], [sflag:$0x2] =	stream.linear.gather [hbm4b:s4+s3], $0xA00, $0x38;
	[tilespmem:$0x4A00] =	vst v63  }
0xe: {  	_ =	swait.ge [sflag:s7], $0xA00  }
0xf: {  	[sflag:s7] =	ssyncset.done $0x0  }
0x10: {  	s12 =	simm.s32 $0x0;
	[sflag:s7] =	ssyncadd.s32 $0xFFFFF600  }
0x11: {  	[tilespmem:s9], [sflag:$0x1] =	stream.indirect.gather [hbm4b:s2+s8], $0x80, s12, s8, $0xb8;
	[tilespmem:$0x4A00] =	vst v63  }
0x12: {  	_ =	swait.ge [sflag:s10], $0x4000  }
0x13: {  	[sflag:s10] =	ssyncset.done $0x0  }
0x14: {  	[sflag:s10] =	ssyncadd.s32 $0xFFFFC000  }
0x15: {  	[hbm4b:s6+s3] =	stream.linear.scatter [tilespmem:s9], [sflag:$0x2], $0x4000, $0x38;
	[tilespmem:$0x4A00] =	vst v63  }
0x16: {  	s13 =	simm.s32 $0x200;
	_ =	swait.ge [sflag:s7], $0x4000  }
0x17: {  	s14 =	simm.s32 $0x400;
	s12 =	sadd.s32 $0x800, s6;
	[sflag:s7] =	ssyncset.done $0x0  }
.LBB2_2:
0x18: {  	s15 =	sshra.s32 s13, $0x2  }
0x19: {  	[sflag:s7] =	ssyncadd.s32 $0xFFFFC000;
	s13 =	smov.u32 s14;
	s16 =	sadd.s32 $0x200, s14  }
0x1a: {  	[tilespmem:s9], [sflag:$0x1] =	stream.indirect.gather [hbm4b:s2+s8], $0x80, s15, s8, $0xb8;
	[tilespmem:$0x4A00] =	vst v63  }
0x1b: {  	p0 =	sne.s32 s14, $0x2600;
	_ =	swait.ge [sflag:s10], $0x4000  }
.Ltmp0:
0x1c: {  	[sflag:s10] =	ssyncset.done $0x0;
	(pc) =	sbr.rel @p0 .LBB2_2-.Ltmp0, $4  }
0x1d: {  	[sflag:s10] =	ssyncadd.s32 $0xFFFFC000  }
0x1e: {  	[hbm4b:s12+s3] =	stream.linear.scatter [tilespmem:s9], [sflag:$0x2], $0x4000, $0x38;
	[tilespmem:$0x4A00] =	vst v63  }
0x1f: {  	_ =	swait.ge [sflag:s7], $0x4000  }
0x20: {  	s14 =	smov.u32 s16;
	s12 =	sadd.s32 $0x800, s12;
	[sflag:s7] =	ssyncset.done $0x0  }
0x21: {  	s13 =	sshra.s32 s13, $0x2;
	[sflag:s7] =	ssyncadd.s32 $0xFFFFC000  }
0x22: {  	[tilespmem:s9], [sflag:$0x1] =	stream.indirect.gather [hbm4b:s2+s8], $0x80, s13, s8, $0xb8;
	[tilespmem:$0x4A00] =	vst v63  }
0x23: {  	s11 =	sadd.s32 $0x1, s11;
	_ =	swait.ge [sflag:s10], $0x4000  }
0x24: {  	p0 =	sne.s32 s11, s5;
	[sflag:s10] =	ssyncset.done $0x0  }
.Ltmp1:
0x25: {  	[sflag:s10] =	ssyncadd.s32 $0xFFFFC000;
	(pc) =	sbr.rel @p0 .LBB2_1-.Ltmp1, $4  }
0x26: {  	[hbm4b:s12+s3] =	stream.linear.scatter [tilespmem:s9], [sflag:$0x2], $0x4000, $0x38;
	[tilespmem:$0x4A00] =	vst v63  }
0x27: {  	_ =	swait.ge [sflag:s7], $0x4000  }
0x28: {  	[sflag:s7] =	ssyncset.done $0x0  }
0x29: {  	[sflag:s7] =	ssyncadd.s32 $0xFFFFC000  }
0x2a: {  	_ =	sfence.sel $0x180000  }
0x2b: {  	[bflag:$0x0] =	sbarrier.arrive $0xFFFF  }
0x2c: {  	p0 =	sne.s32 s1, $0x0;
	_ =	strace $0x90000047  }
0x2d: {  	s0 =	sadd.s32 @!p0 $0x100000, s0;
	[bflag:$0x2] =	sbarrier.arrive $0xFFFF  }
0x2e: {  	[sflag:s0] =	ssyncadd.tile.s32 @!p0 $0x1;
	_ =	shalt  }
.Lfunc_end2:
_tile_overlayer_lowered:
.L_overlay_start_2:
0x2f: {  	(tag) =	ssettag $0x2  }
0x30: {  	s0 =	rddreg [dreg:$0x0];
	s2 =	stileid.u32  }
0x31: {  	s1 =	rddreg [dreg:$0x1];
	p0 =	sne.s32 s2, $0x0  }
0x32: {  	s3 =	rddreg [dreg:$0x2];
	[bflag:$0x3] =	sbarrier.arrive $0xFFFF;
	s2 =	simm.s32 @!p0 $0x1C02  }
0x33: {  	[timem:s3], [sflag:s2] =	dma.local @!p0 [hbm:s0], s1  }
0x34: {  	s0 =	simm.s32 @!p0 $0x2  }
0x35: {  	_ =	swait.ge @!p0 [sflag:s0], s1  }
0x36: {  	s1 =	ssub.s32 @!p0 $0x0, s1;
	[sflag:s0] =	ssyncset.done @!p0 $0x0  }
0x37: {  	[sflag:s0] =	ssyncadd.s32 @!p0 s1  }
0x38: {  	[bflag:$0x3] =	sbarrier.arrive $0xFFFF  }
0x39: {  	_ =	shalt  }

</sc_bundles>
